<compile_context>
chip_gen: v7x
topology: tpu7x:2x2x1
jax: 0.10.2.dev20260603
libtpu: 0.0.44.dev20260713+nightly
codegen_flags: <defaults>
</compile_context>

<pallas_src>
import functools

import jax
import jax.numpy as jnp
from jax import lax
from jax.experimental import pallas as pl
from jax.experimental.pallas import tpu as pltpu
from jax.experimental.pallas import tpu_sc as plsc

B = 16384
D = 64
LANES = 16
SUBL = 8
NUM_CORES = 2
NUM_SUBCORES = 16
NW = NUM_CORES * NUM_SUBCORES
BPW = B // NW
NGRP = BPW // LANES


def _sc_partials(z4, blk2, sub2, centers3):
    mesh = plsc.VectorSubcoreMesh(core_axis_name="c", subcore_axis_name="s")

    @functools.partial(
        pl.kernel,
        out_type=jax.ShapeDtypeStruct((NW, LANES), jnp.float32),
        mesh=mesh,
        scratch_types=[
            pltpu.VMEM((BPW,), jnp.int32),
            pltpu.VMEM((BPW,), jnp.int32),
            pltpu.VMEM((BPW // 2, 2 * D), jnp.float32),
            pltpu.VMEM((BPW // SUBL, SUBL, D), jnp.float32),
            pltpu.VMEM((LANES,), jnp.float32),
            pltpu.SemaphoreType.DMA,
        ],
    )
    def k(z_hbm, blk_hbm, sub_hbm, centers_hbm, out_hbm,
          blk_v, sub_v, c_v, z_v, acc_v, sem):
        wid = lax.axis_index("s") * NUM_CORES + lax.axis_index("c")

        pltpu.sync_copy(blk_hbm.at[wid], blk_v)
        pltpu.sync_copy(sub_hbm.at[wid], sub_v)

        def issue(g, carry):
            blkv = blk_v[pl.ds(g * LANES, LANES)]
            subv = sub_v[pl.ds(g * LANES, LANES)]
            for r in range(LANES):
                pltpu.async_copy(
                    centers_hbm.at[blkv[r], subv[r]],
                    c_v.at[g * (LANES // 2) + r // 2, pl.ds((r % 2) * D, D)],
                    sem,
                )
            return carry

        lax.fori_loop(0, NGRP, issue, 0)
        pltpu.sync_copy(z_hbm.at[wid], z_v)

        def body(g, accs):
            accs = list(accs)
            for r in range(LANES):
                pltpu.make_async_copy(
                    centers_hbm.at[0, 0],
                    c_v.at[g * (LANES // 2) + r // 2, pl.ds((r % 2) * D, D)],
                    sem).wait()
            for r in range(LANES):
                crow = g * (LANES // 2) + r // 2
                ccol = (r % 2) * D
                zblk = g * (LANES // SUBL) + r // SUBL
                zsub = r % SUBL
                for j in range(D // LANES):
                    dz = (z_v[zblk, zsub, pl.ds(j * LANES, LANES)]
                          - c_v[crow, pl.ds(ccol + j * LANES, LANES)])
                    accs[j] = accs[j] + dz * dz
            return tuple(accs)

        zero = jnp.zeros((LANES,), jnp.float32)
        accs = lax.fori_loop(0, NGRP, body, (zero,) * (D // LANES))
        acc_v[...] = accs[0] + accs[1] + accs[2] + accs[3]
        pltpu.sync_copy(acc_v, out_hbm.at[wid])

    return k(z4, blk2, sub2, centers3)


def _reduce_partials(partials):

    def body(p_ref, o_ref):
        o_ref[0, 0] = jnp.sum(p_ref[...]) * (1.0 / B)

    out = pl.pallas_call(
        body,
        out_shape=jax.ShapeDtypeStruct((1, 1), jnp.float32),
        out_specs=pl.BlockSpec(memory_space=pltpu.SMEM),
    )(partials)
    return out[0, 0]


def kernel(z, labels, centers):
    labels = labels.astype(jnp.int32)
    blk2 = (labels >> 3).reshape(NW, BPW)
    sub2 = (labels & 7).reshape(NW, BPW)
    centers3 = centers.reshape(centers.shape[0] // SUBL, SUBL, D)
    z4 = z.reshape(NW, BPW // SUBL, SUBL, D)
    partials = _sc_partials(z4, blk2, sub2, centers3)
    return _reduce_partials(partials)

# --- scband reference (transcript-rebuilt; emitter-appended) ---
"""Pipeline reference for scband-center-loss-11544872092090 (READ-ONLY COPY).

The authoritative reference and input builder live on the scoring server;
editing this copy changes nothing except your own understanding.
"""

import jax, jax.numpy as jnp
import numpy as np

NUM_CLASSES = 1000000
FEAT_DIM = 64
BATCH = 16384


def setup_inputs(seed: int = 0) -> dict:
    key = jax.random.key(seed)
    k1, k2, k3 = jax.random.split(key, 3)
    z = jax.random.normal(k1, (BATCH, FEAT_DIM), dtype=jnp.float32)
    labels = jax.random.randint(k2, (BATCH,), 0, NUM_CLASSES, dtype=jnp.int64)
    centers = jax.random.normal(k3, (NUM_CLASSES, FEAT_DIM), dtype=jnp.float32)
    return {"z": z, "labels": labels, "centers": centers}


def reference(z, labels, centers):
    # L_center = (1/N) * sum_i ||z_i - c_{y_i}||^2
    gathered = jnp.take(centers, labels, axis=0)  # (B, D) gather from class centers
    diff = z - gathered
    loss = jnp.sum(diff * diff, axis=1).mean()
    return loss

if __name__ == "__main__":
    import jax
    _d = setup_inputs()
    print(jax.jit(kernel)(*tuple(_d.values())))

</pallas_src>

<mosaic_0001>
#map = affine_map<(d0, d1) -> (0, 0, 0, 0)>
#map1 = affine_map<(d0, d1) -> (0, 0)>
#map2 = affine_map<(d0, d1) -> (0, 0, 0)>
module attributes {stable_mosaic.version = 14 : i64} {
  func.func @k(%arg0: i32, %arg1: i32, %arg2: memref<32x64x8x64xf32, #tpu.memory_space<hbm>>, %arg3: memref<32x512xi32, #tpu.memory_space<hbm>>, %arg4: memref<32x512xi32, #tpu.memory_space<hbm>>, %arg5: memref<125000x8x64xf32, #tpu.memory_space<hbm>>, %arg6: memref<32x16xf32, #tpu.memory_space<hbm>>, %arg7: memref<512xi32, #tpu.memory_space<vmem>>, %arg8: memref<512xi32, #tpu.memory_space<vmem>>, %arg9: memref<256x128xf32, #tpu.memory_space<vmem>>, %arg10: memref<64x8x64xf32, #tpu.memory_space<vmem>>, %arg11: memref<16xf32, #tpu.memory_space<vmem>>, %arg12: memref<!tpu.dma_semaphore, #tpu.memory_space<semaphore_mem>>) attributes {dimension_semantics = [#tpu.dimension_semantics<core_parallel>, #tpu.dimension_semantics<subcore_parallel>], iteration_bounds = array<i64: 2, 16>, scalar_prefetch = 0 : i64, scratch_operands = 6 : i64, tpu.core_type = #tpu.core_type<sc_vector_subcore>, window_params = [{transform_indices = #map}, {transform_indices = #map1}, {transform_indices = #map1}, {transform_indices = #map2}, {transform_indices = #map1}]} {
    %mul3A = arith.constant 2 : i32
    %mul3A_0 = arith.muli %arg1, %mul3A : i32
    %add3A = arith.addi %mul3A_0, %arg0 : i32
    "tpu.region"() ({
      %run_scoped3A = tpu.sem_alloc : memref<!tpu.dma_semaphore, #tpu.memory_space<semaphore_mem>>
      %dma_start3A = arith.constant 0 : i32
      %dma_start3A_19 = tpu.memref_slice %arg3[%add3A, %dma_start3A] : memref<32x512xi32, #tpu.memory_space<hbm>> -> memref<1x512xi32, #tpu.memory_space<hbm>>
      %dma_start3A_20 = tpu.memref_squeeze %dma_start3A_19 : memref<1x512xi32, #tpu.memory_space<hbm>> -> memref<512xi32, #tpu.memory_space<hbm>>
      %dma_start3A_21 = arith.constant 0 : i32
      %dma_start3A_22 = tpu.memref_slice %arg3[%add3A, %dma_start3A_21] : memref<32x512xi32, #tpu.memory_space<hbm>> -> memref<1x512xi32, #tpu.memory_space<hbm>>
      %dma_start3A_23 = tpu.memref_squeeze %dma_start3A_22 : memref<1x512xi32, #tpu.memory_space<hbm>> -> memref<512xi32, #tpu.memory_space<hbm>>
      tpu.enqueue_dma source(%dma_start3A_23 : memref<512xi32, #tpu.memory_space<hbm>>) target(%arg7 : memref<512xi32, #tpu.memory_space<vmem>>) target_semaphore(%run_scoped3A : memref<!tpu.dma_semaphore, #tpu.memory_space<semaphore_mem>>)
      %dma_wait3A = arith.constant 0 : i32
      %dma_wait3A_24 = tpu.memref_slice %arg3[%add3A, %dma_wait3A] : memref<32x512xi32, #tpu.memory_space<hbm>> -> memref<1x512xi32, #tpu.memory_space<hbm>>
      %dma_wait3A_25 = tpu.memref_squeeze %dma_wait3A_24 : memref<1x512xi32, #tpu.memory_space<hbm>> -> memref<512xi32, #tpu.memory_space<hbm>>
      %dma_wait3A_26 = arith.constant 0 : i32
      %dma_wait3A_27 = tpu.memref_slice %arg3[%add3A, %dma_wait3A_26] : memref<32x512xi32, #tpu.memory_space<hbm>> -> memref<1x512xi32, #tpu.memory_space<hbm>>
      %dma_wait3A_28 = tpu.memref_squeeze %dma_wait3A_27 : memref<1x512xi32, #tpu.memory_space<hbm>> -> memref<512xi32, #tpu.memory_space<hbm>>
      tpu.wait_dma2 semaphore(%run_scoped3A : memref<!tpu.dma_semaphore, #tpu.memory_space<semaphore_mem>>) src(%dma_wait3A_28 : memref<512xi32, #tpu.memory_space<hbm>>) dst(%arg7 : memref<512xi32, #tpu.memory_space<vmem>>)
      tpu.yield
    }) : () -> ()
    "tpu.region"() ({
      %run_scoped3A = tpu.sem_alloc : memref<!tpu.dma_semaphore, #tpu.memory_space<semaphore_mem>>
      %dma_start3A = arith.constant 0 : i32
      %dma_start3A_19 = tpu.memref_slice %arg4[%add3A, %dma_start3A] : memref<32x512xi32, #tpu.memory_space<hbm>> -> memref<1x512xi32, #tpu.memory_space<hbm>>
      %dma_start3A_20 = tpu.memref_squeeze %dma_start3A_19 : memref<1x512xi32, #tpu.memory_space<hbm>> -> memref<512xi32, #tpu.memory_space<hbm>>
      %dma_start3A_21 = arith.constant 0 : i32
      %dma_start3A_22 = tpu.memref_slice %arg4[%add3A, %dma_start3A_21] : memref<32x512xi32, #tpu.memory_space<hbm>> -> memref<1x512xi32, #tpu.memory_space<hbm>>
      %dma_start3A_23 = tpu.memref_squeeze %dma_start3A_22 : memref<1x512xi32, #tpu.memory_space<hbm>> -> memref<512xi32, #tpu.memory_space<hbm>>
      tpu.enqueue_dma source(%dma_start3A_23 : memref<512xi32, #tpu.memory_space<hbm>>) target(%arg8 : memref<512xi32, #tpu.memory_space<vmem>>) target_semaphore(%run_scoped3A : memref<!tpu.dma_semaphore, #tpu.memory_space<semaphore_mem>>)
      %dma_wait3A = arith.constant 0 : i32
      %dma_wait3A_24 = tpu.memref_slice %arg4[%add3A, %dma_wait3A] : memref<32x512xi32, #tpu.memory_space<hbm>> -> memref<1x512xi32, #tpu.memory_space<hbm>>
      %dma_wait3A_25 = tpu.memref_squeeze %dma_wait3A_24 : memref<1x512xi32, #tpu.memory_space<hbm>> -> memref<512xi32, #tpu.memory_space<hbm>>
      %dma_wait3A_26 = arith.constant 0 : i32
      %dma_wait3A_27 = tpu.memref_slice %arg4[%add3A, %dma_wait3A_26] : memref<32x512xi32, #tpu.memory_space<hbm>> -> memref<1x512xi32, #tpu.memory_space<hbm>>
      %dma_wait3A_28 = tpu.memref_squeeze %dma_wait3A_27 : memref<1x512xi32, #tpu.memory_space<hbm>> -> memref<512xi32, #tpu.memory_space<hbm>>
      tpu.wait_dma2 semaphore(%run_scoped3A : memref<!tpu.dma_semaphore, #tpu.memory_space<semaphore_mem>>) src(%dma_wait3A_28 : memref<512xi32, #tpu.memory_space<hbm>>) dst(%arg8 : memref<512xi32, #tpu.memory_space<vmem>>)
      tpu.yield
    }) : () -> ()
    %scan3A = arith.constant 0 : i32
    %scan3A_1 = arith.constant 0 : i32
    %scan3A_2 = arith.constant 32 : i32
    %scan3A_3 = arith.addi %scan3A_1, %scan3A_2 : i32
    %scan3A_4 = arith.constant 1 : i32
    scf.for %scan3A_19 = %scan3A_1 to %scan3A_3 step %scan3A_4  : i32 {
      %mul3A_20 = arith.constant 16 : i32
      %mul3A_21 = arith.muli %scan3A_19, %mul3A_20 : i32
      %get3A = arith.index_cast %mul3A_21 : i32 to index
      %get3A_22 = tpu.vector_load %arg7[%get3A] {strides = array<i32>} : memref<512xi32, #tpu.memory_space<vmem>>, vector<16xi32>,
      %get3A_23 = vector.shape_cast %get3A_22 : vector<16xi32> to vector<16xi32>
      %mul3A_24 = arith.constant 16 : i32
      %mul3A_25 = arith.muli %scan3A_19, %mul3A_24 : i32
      %get3A_26 = arith.index_cast %mul3A_25 : i32 to index
      %get3A_27 = tpu.vector_load %arg8[%get3A_26] {strides = array<i32>} : memref<512xi32, #tpu.memory_space<vmem>>, vector<16xi32>,
      %get3A_28 = vector.shape_cast %get3A_27 : vector<16xi32> to vector<16xi32>
      %slice3A = vector.extract_strided_slice %get3A_23 {offsets = [0], sizes = [1], strides = [1]} : vector<16xi32> to vector<1xi32>
      %squeeze3A = vector.extract %slice3A[0] : i32 from vector<1xi32>
      %slice3A_29 = vector.extract_strided_slice %get3A_28 {offsets = [0], sizes = [1], strides = [1]} : vector<16xi32> to vector<1xi32>
      %squeeze3A_30 = vector.extract %slice3A_29[0] : i32 from vector<1xi32>
      %mul3A_31 = arith.constant 8 : i32
      %mul3A_32 = arith.muli %scan3A_19, %mul3A_31 : i32
      %add3A_33 = arith.constant 0 : i32
      %add3A_34 = arith.addi %mul3A_32, %add3A_33 : i32
      %dma_start3A = arith.constant 0 : i32
      %dma_start3A_35 = tpu.memref_slice %arg9[%add3A_34, %dma_start3A] : memref<256x128xf32, #tpu.memory_space<vmem>> -> memref<1x64xf32, #tpu.memory_space<vmem>>
      %dma_start3A_36 = tpu.memref_squeeze %dma_start3A_35 : memref<1x64xf32, #tpu.memory_space<vmem>> -> memref<64xf32, #tpu.memory_space<vmem>>
      %dma_start3A_37 = arith.constant 0 : i32
      %dma_start3A_38 = tpu.memref_slice %arg5[%squeeze3A, %squeeze3A_30, %dma_start3A_37] : memref<125000x8x64xf32, #tpu.memory_space<hbm>> -> memref<1x1x64xf32, #tpu.memory_space<hbm>>
      %dma_start3A_39 = tpu.memref_squeeze %dma_start3A_38 : memref<1x1x64xf32, #tpu.memory_space<hbm>> -> memref<64xf32, #tpu.memory_space<hbm>>
      %dma_start3A_40 = arith.constant 0 : i32
      %dma_start3A_41 = tpu.memref_slice %arg9[%add3A_34, %dma_start3A_40] : memref<256x128xf32, #tpu.memory_space<vmem>> -> memref<1x64xf32, #tpu.memory_space<vmem>>
      %dma_start3A_42 = tpu.memref_squeeze %dma_start3A_41 : memref<1x64xf32, #tpu.memory_space<vmem>> -> memref<64xf32, #tpu.memory_space<vmem>>
      %dma_start3A_43 = arith.constant 0 : i32
      %dma_start3A_44 = tpu.memref_slice %arg5[%squeeze3A, %squeeze3A_30, %dma_start3A_43] : memref<125000x8x64xf32, #tpu.memory_space<hbm>> -> memref<1x1x64xf32, #tpu.memory_space<hbm>>
      %dma_start3A_45 = tpu.memref_squeeze %dma_start3A_44 : memref<1x1x64xf32, #tpu.memory_space<hbm>> -> memref<64xf32, #tpu.memory_space<hbm>>
      tpu.enqueue_dma source(%dma_start3A_45 : memref<64xf32, #tpu.memory_space<hbm>>) target(%dma_start3A_42 : memref<64xf32, #tpu.memory_space<vmem>>) target_semaphore(%arg12 : memref<!tpu.dma_semaphore, #tpu.memory_space<semaphore_mem>>)
      %slice3A_46 = vector.extract_strided_slice %get3A_23 {offsets = [1], sizes = [1], strides = [1]} : vector<16xi32> to vector<1xi32>
      %squeeze3A_47 = vector.extract %slice3A_46[0] : i32 from vector<1xi32>
      %slice3A_48 = vector.extract_strided_slice %get3A_28 {offsets = [1], sizes = [1], strides = [1]} : vector<16xi32> to vector<1xi32>
      %squeeze3A_49 = vector.extract %slice3A_48[0] : i32 from vector<1xi32>
      %mul3A_50 = arith.constant 8 : i32
      %mul3A_51 = arith.muli %scan3A_19, %mul3A_50 : i32
      %add3A_52 = arith.constant 0 : i32
      %add3A_53 = arith.addi %mul3A_51, %add3A_52 : i32
      %dma_start3A_54 = arith.constant 64 : i32
      %dma_start3A_55 = tpu.memref_slice %arg9[%add3A_53, %dma_start3A_54] : memref<256x128xf32, #tpu.memory_space<vmem>> -> memref<1x64xf32, #tpu.memory_space<vmem>>
      %dma_start3A_56 = tpu.memref_squeeze %dma_start3A_55 : memref<1x64xf32, #tpu.memory_space<vmem>> -> memref<64xf32, #tpu.memory_space<vmem>>
      %dma_start3A_57 = arith.constant 0 : i32
      %dma_start3A_58 = tpu.memref_slice %arg5[%squeeze3A_47, %squeeze3A_49, %dma_start3A_57] : memref<125000x8x64xf32, #tpu.memory_space<hbm>> -> memref<1x1x64xf32, #tpu.memory_space<hbm>>
      %dma_start3A_59 = tpu.memref_squeeze %dma_start3A_58 : memref<1x1x64xf32, #tpu.memory_space<hbm>> -> memref<64xf32, #tpu.memory_space<hbm>>
      %dma_start3A_60 = arith.constant 64 : i32
      %dma_start3A_61 = tpu.memref_slice %arg9[%add3A_53, %dma_start3A_60] : memref<256x128xf32, #tpu.memory_space<vmem>> -> memref<1x64xf32, #tpu.memory_space<vmem>>
      %dma_start3A_62 = tpu.memref_squeeze %dma_start3A_61 : memref<1x64xf32, #tpu.memory_space<vmem>> -> memref<64xf32, #tpu.memory_space<vmem>>
      %dma_start3A_63 = arith.constant 0 : i32
      %dma_start3A_64 = tpu.memref_slice %arg5[%squeeze3A_47, %squeeze3A_49, %dma_start3A_63] : memref<125000x8x64xf32, #tpu.memory_space<hbm>> -> memref<1x1x64xf32, #tpu.memory_space<hbm>>
      %dma_start3A_65 = tpu.memref_squeeze %dma_start3A_64 : memref<1x1x64xf32, #tpu.memory_space<hbm>> -> memref<64xf32, #tpu.memory_space<hbm>>
      tpu.enqueue_dma source(%dma_start3A_65 : memref<64xf32, #tpu.memory_space<hbm>>) target(%dma_start3A_62 : memref<64xf32, #tpu.memory_space<vmem>>) target_semaphore(%arg12 : memref<!tpu.dma_semaphore, #tpu.memory_space<semaphore_mem>>)
      %slice3A_66 = vector.extract_strided_slice %get3A_23 {offsets = [2], sizes = [1], strides = [1]} : vector<16xi32> to vector<1xi32>
      %squeeze3A_67 = vector.extract %slice3A_66[0] : i32 from vector<1xi32>
      %slice3A_68 = vector.extract_strided_slice %get3A_28 {offsets = [2], sizes = [1], strides = [1]} : vector<16xi32> to vector<1xi32>
      %squeeze3A_69 = vector.extract %slice3A_68[0] : i32 from vector<1xi32>
      %mul3A_70 = arith.constant 8 : i32
      %mul3A_71 = arith.muli %scan3A_19, %mul3A_70 : i32
      %add3A_72 = arith.constant 1 : i32
      %add3A_73 = arith.addi %mul3A_71, %add3A_72 : i32
      %dma_start3A_74 = arith.constant 0 : i32
      %dma_start3A_75 = tpu.memref_slice %arg9[%add3A_73, %dma_start3A_74] : memref<256x128xf32, #tpu.memory_space<vmem>> -> memref<1x64xf32, #tpu.memory_space<vmem>>
      %dma_start3A_76 = tpu.memref_squeeze %dma_start3A_75 : memref<1x64xf32, #tpu.memory_space<vmem>> -> memref<64xf32, #tpu.memory_space<vmem>>
      %dma_start3A_77 = arith.constant 0 : i32
      %dma_start3A_78 = tpu.memref_slice %arg5[%squeeze3A_67, %squeeze3A_69, %dma_start3A_77] : memref<125000x8x64xf32, #tpu.memory_space<hbm>> -> memref<1x1x64xf32, #tpu.memory_space<hbm>>
      %dma_start3A_79 = tpu.memref_squeeze %dma_start3A_78 : memref<1x1x64xf32, #tpu.memory_space<hbm>> -> memref<64xf32, #tpu.memory_space<hbm>>
      %dma_start3A_80 = arith.constant 0 : i32
      %dma_start3A_81 = tpu.memref_slice %arg9[%add3A_73, %dma_start3A_80] : memref<256x128xf32, #tpu.memory_space<vmem>> -> memref<1x64xf32, #tpu.memory_space<vmem>>
      %dma_start3A_82 = tpu.memref_squeeze %dma_start3A_81 : memref<1x64xf32, #tpu.memory_space<vmem>> -> memref<64xf32, #tpu.memory_space<vmem>>
      %dma_start3A_83 = arith.constant 0 : i32
      %dma_start3A_84 = tpu.memref_slice %arg5[%squeeze3A_67, %squeeze3A_69, %dma_start3A_83] : memref<125000x8x64xf32, #tpu.memory_space<hbm>> -> memref<1x1x64xf32, #tpu.memory_space<hbm>>
      %dma_start3A_85 = tpu.memref_squeeze %dma_start3A_84 : memref<1x1x64xf32, #tpu.memory_space<hbm>> -> memref<64xf32, #tpu.memory_space<hbm>>
      tpu.enqueue_dma source(%dma_start3A_85 : memref<64xf32, #tpu.memory_space<hbm>>) target(%dma_start3A_82 : memref<64xf32, #tpu.memory_space<vmem>>) target_semaphore(%arg12 : memref<!tpu.dma_semaphore, #tpu.memory_space<semaphore_mem>>)
      %slice3A_86 = vector.extract_strided_slice %get3A_23 {offsets = [3], sizes = [1], strides = [1]} : vector<16xi32> to vector<1xi32>
      %squeeze3A_87 = vector.extract %slice3A_86[0] : i32 from vector<1xi32>
      %slice3A_88 = vector.extract_strided_slice %get3A_28 {offsets = [3], sizes = [1], strides = [1]} : vector<16xi32> to vector<1xi32>
      %squeeze3A_89 = vector.extract %slice3A_88[0] : i32 from vector<1xi32>
      %mul3A_90 = arith.constant 8 : i32
      %mul3A_91 = arith.muli %scan3A_19, %mul3A_90 : i32
      %add3A_92 = arith.constant 1 : i32
      %add3A_93 = arith.addi %mul3A_91, %add3A_92 : i32
      %dma_start3A_94 = arith.constant 64 : i32
      %dma_start3A_95 = tpu.memref_slice %arg9[%add3A_93, %dma_start3A_94] : memref<256x128xf32, #tpu.memory_space<vmem>> -> memref<1x64xf32, #tpu.memory_space<vmem>>
      %dma_start3A_96 = tpu.memref_squeeze %dma_start3A_95 : memref<1x64xf32, #tpu.memory_space<vmem>> -> memref<64xf32, #tpu.memory_space<vmem>>
      %dma_start3A_97 = arith.constant 0 : i32
      %dma_start3A_98 = tpu.memref_slice %arg5[%squeeze3A_87, %squeeze3A_89, %dma_start3A_97] : memref<125000x8x64xf32, #tpu.memory_space<hbm>> -> memref<1x1x64xf32, #tpu.memory_space<hbm>>
      %dma_start3A_99 = tpu.memref_squeeze %dma_start3A_98 : memref<1x1x64xf32, #tpu.memory_space<hbm>> -> memref<64xf32, #tpu.memory_space<hbm>>
      %dma_start3A_100 = arith.constant 64 : i32
      %dma_start3A_101 = tpu.memref_slice %arg9[%add3A_93, %dma_start3A_100] : memref<256x128xf32, #tpu.memory_space<vmem>> -> memref<1x64xf32, #tpu.memory_space<vmem>>
      %dma_start3A_102 = tpu.memref_squeeze %dma_start3A_101 : memref<1x64xf32, #tpu.memory_space<vmem>> -> memref<64xf32, #tpu.memory_space<vmem>>
      %dma_start3A_103 = arith.constant 0 : i32
      %dma_start3A_104 = tpu.memref_slice %arg5[%squeeze3A_87, %squeeze3A_89, %dma_start3A_103] : memref<125000x8x64xf32, #tpu.memory_space<hbm>> -> memref<1x1x64xf32, #tpu.memory_space<hbm>>
      %dma_start3A_105 = tpu.memref_squeeze %dma_start3A_104 : memref<1x1x64xf32, #tpu.memory_space<hbm>> -> memref<64xf32, #tpu.memory_space<hbm>>
      tpu.enqueue_dma source(%dma_start3A_105 : memref<64xf32, #tpu.memory_space<hbm>>) target(%dma_start3A_102 : memref<64xf32, #tpu.memory_space<vmem>>) target_semaphore(%arg12 : memref<!tpu.dma_semaphore, #tpu.memory_space<semaphore_mem>>)
      %slice3A_106 = vector.extract_strided_slice %get3A_23 {offsets = [4], sizes = [1], strides = [1]} : vector<16xi32> to vector<1xi32>
      %squeeze3A_107 = vector.extract %slice3A_106[0] : i32 from vector<1xi32>
      %slice3A_108 = vector.extract_strided_slice %get3A_28 {offsets = [4], sizes = [1], strides = [1]} : vector<16xi32> to vector<1xi32>
      %squeeze3A_109 = vector.extract %slice3A_108[0] : i32 from vector<1xi32>
      %mul3A_110 = arith.constant 8 : i32
      %mul3A_111 = arith.muli %scan3A_19, %mul3A_110 : i32
      %add3A_112 = arith.constant 2 : i32
      %add3A_113 = arith.addi %mul3A_111, %add3A_112 : i32
      %dma_start3A_114 = arith.constant 0 : i32
      %dma_start3A_115 = tpu.memref_slice %arg9[%add3A_113, %dma_start3A_114] : memref<256x128xf32, #tpu.memory_space<vmem>> -> memref<1x64xf32, #tpu.memory_space<vmem>>
      %dma_start3A_116 = tpu.memref_squeeze %dma_start3A_115 : memref<1x64xf32, #tpu.memory_space<vmem>> -> memref<64xf32, #tpu.memory_space<vmem>>
      %dma_start3A_117 = arith.constant 0 : i32
      %dma_start3A_118 = tpu.memref_slice %arg5[%squeeze3A_107, %squeeze3A_109, %dma_start3A_117] : memref<125000x8x64xf32, #tpu.memory_space<hbm>> -> memref<1x1x64xf32, #tpu.memory_space<hbm>>
      %dma_start3A_119 = tpu.memref_squeeze %dma_start3A_118 : memref<1x1x64xf32, #tpu.memory_space<hbm>> -> memref<64xf32, #tpu.memory_space<hbm>>
      %dma_start3A_120 = arith.constant 0 : i32
      %dma_start3A_121 = tpu.memref_slice %arg9[%add3A_113, %dma_start3A_120] : memref<256x128xf32, #tpu.memory_space<vmem>> -> memref<1x64xf32, #tpu.memory_space<vmem>>
      %dma_start3A_122 = tpu.memref_squeeze %dma_start3A_121 : memref<1x64xf32, #tpu.memory_space<vmem>> -> memref<64xf32, #tpu.memory_space<vmem>>
      %dma_start3A_123 = arith.constant 0 : i32
      %dma_start3A_124 = tpu.memref_slice %arg5[%squeeze3A_107, %squeeze3A_109, %dma_start3A_123] : memref<125000x8x64xf32, #tpu.memory_space<hbm>> -> memref<1x1x64xf32, #tpu.memory_space<hbm>>
      %dma_start3A_125 = tpu.memref_squeeze %dma_start3A_124 : memref<1x1x64xf32, #tpu.memory_space<hbm>> -> memref<64xf32, #tpu.memory_space<hbm>>
      tpu.enqueue_dma source(%dma_start3A_125 : memref<64xf32, #tpu.memory_space<hbm>>) target(%dma_start3A_122 : memref<64xf32, #tpu.memory_space<vmem>>) target_semaphore(%arg12 : memref<!tpu.dma_semaphore, #tpu.memory_space<semaphore_mem>>)
      %slice3A_126 = vector.extract_strided_slice %get3A_23 {offsets = [5], sizes = [1], strides = [1]} : vector<16xi32> to vector<1xi32>
      %squeeze3A_127 = vector.extract %slice3A_126[0] : i32 from vector<1xi32>
      %slice3A_128 = vector.extract_strided_slice %get3A_28 {offsets = [5], sizes = [1], strides = [1]} : vector<16xi32> to vector<1xi32>
      %squeeze3A_129 = vector.extract %slice3A_128[0] : i32 from vector<1xi32>
      %mul3A_130 = arith.constant 8 : i32
      %mul3A_131 = arith.muli %scan3A_19, %mul3A_130 : i32
      %add3A_132 = arith.constant 2 : i32
      %add3A_133 = arith.addi %mul3A_131, %add3A_132 : i32
      %dma_start3A_134 = arith.constant 64 : i32
      %dma_start3A_135 = tpu.memref_slice %arg9[%add3A_133, %dma_start3A_134] : memref<256x128xf32, #tpu.memory_space<vmem>> -> memref<1x64xf32, #tpu.memory_space<vmem>>
      %dma_start3A_136 = tpu.memref_squeeze %dma_start3A_135 : memref<1x64xf32, #tpu.memory_space<vmem>> -> memref<64xf32, #tpu.memory_space<vmem>>
      %dma_start3A_137 = arith.constant 0 : i32
      %dma_start3A_138 = tpu.memref_slice %arg5[%squeeze3A_127, %squeeze3A_129, %dma_start3A_137] : memref<125000x8x64xf32, #tpu.memory_space<hbm>> -> memref<1x1x64xf32, #tpu.memory_space<hbm>>
      %dma_start3A_139 = tpu.memref_squeeze %dma_start3A_138 : memref<1x1x64xf32, #tpu.memory_space<hbm>> -> memref<64xf32, #tpu.memory_space<hbm>>
      %dma_start3A_140 = arith.constant 64 : i32
      %dma_start3A_141 = tpu.memref_slice %arg9[%add3A_133, %dma_start3A_140] : memref<256x128xf32, #tpu.memory_space<vmem>> -> memref<1x64xf32, #tpu.memory_space<vmem>>
      %dma_start3A_142 = tpu.memref_squeeze %dma_start3A_141 : memref<1x64xf32, #tpu.memory_space<vmem>> -> memref<64xf32, #tpu.memory_space<vmem>>
      %dma_start3A_143 = arith.constant 0 : i32
      %dma_start3A_144 = tpu.memref_slice %arg5[%squeeze3A_127, %squeeze3A_129, %dma_start3A_143] : memref<125000x8x64xf32, #tpu.memory_space<hbm>> -> memref<1x1x64xf32, #tpu.memory_space<hbm>>
      %dma_start3A_145 = tpu.memref_squeeze %dma_start3A_144 : memref<1x1x64xf32, #tpu.memory_space<hbm>> -> memref<64xf32, #tpu.memory_space<hbm>>
      tpu.enqueue_dma source(%dma_start3A_145 : memref<64xf32, #tpu.memory_space<hbm>>) target(%dma_start3A_142 : memref<64xf32, #tpu.memory_space<vmem>>) target_semaphore(%arg12 : memref<!tpu.dma_semaphore, #tpu.memory_space<semaphore_mem>>)
      %slice3A_146 = vector.extract_strided_slice %get3A_23 {offsets = [6], sizes = [1], strides = [1]} : vector<16xi32> to vector<1xi32>
      %squeeze3A_147 = vector.extract %slice3A_146[0] : i32 from vector<1xi32>
      %slice3A_148 = vector.extract_strided_slice %get3A_28 {offsets = [6], sizes = [1], strides = [1]} : vector<16xi32> to vector<1xi32>
      %squeeze3A_149 = vector.extract %slice3A_148[0] : i32 from vector<1xi32>
      %mul3A_150 = arith.constant 8 : i32
      %mul3A_151 = arith.muli %scan3A_19, %mul3A_150 : i32
      %add3A_152 = arith.constant 3 : i32
      %add3A_153 = arith.addi %mul3A_151, %add3A_152 : i32
      %dma_start3A_154 = arith.constant 0 : i32
      %dma_start3A_155 = tpu.memref_slice %arg9[%add3A_153, %dma_start3A_154] : memref<256x128xf32, #tpu.memory_space<vmem>> -> memref<1x64xf32, #tpu.memory_space<vmem>>
      %dma_start3A_156 = tpu.memref_squeeze %dma_start3A_155 : memref<1x64xf32, #tpu.memory_space<vmem>> -> memref<64xf32, #tpu.memory_space<vmem>>
      %dma_start3A_157 = arith.constant 0 : i32
      %dma_start3A_158 = tpu.memref_slice %arg5[%squeeze3A_147, %squeeze3A_149, %dma_start3A_157] : memref<125000x8x64xf32, #tpu.memory_space<hbm>> -> memref<1x1x64xf32, #tpu.memory_space<hbm>>
      %dma_start3A_159 = tpu.memref_squeeze %dma_start3A_158 : memref<1x1x64xf32, #tpu.memory_space<hbm>> -> memref<64xf32, #tpu.memory_space<hbm>>
      %dma_start3A_160 = arith.constant 0 : i32
      %dma_start3A_161 = tpu.memref_slice %arg9[%add3A_153, %dma_start3A_160] : memref<256x128xf32, #tpu.memory_space<vmem>> -> memref<1x64xf32, #tpu.memory_space<vmem>>
      %dma_start3A_162 = tpu.memref_squeeze %dma_start3A_161 : memref<1x64xf32, #tpu.memory_space<vmem>> -> memref<64xf32, #tpu.memory_space<vmem>>
      %dma_start3A_163 = arith.constant 0 : i32
      %dma_start3A_164 = tpu.memref_slice %arg5[%squeeze3A_147, %squeeze3A_149, %dma_start3A_163] : memref<125000x8x64xf32, #tpu.memory_space<hbm>> -> memref<1x1x64xf32, #tpu.memory_space<hbm>>
      %dma_start3A_165 = tpu.memref_squeeze %dma_start3A_164 : memref<1x1x64xf32, #tpu.memory_space<hbm>> -> memref<64xf32, #tpu.memory_space<hbm>>
      tpu.enqueue_dma source(%dma_start3A_165 : memref<64xf32, #tpu.memory_space<hbm>>) target(%dma_start3A_162 : memref<64xf32, #tpu.memory_space<vmem>>) target_semaphore(%arg12 : memref<!tpu.dma_semaphore, #tpu.memory_space<semaphore_mem>>)
      %slice3A_166 = vector.extract_strided_slice %get3A_23 {offsets = [7], sizes = [1], strides = [1]} : vector<16xi32> to vector<1xi32>
      %squeeze3A_167 = vector.extract %slice3A_166[0] : i32 from vector<1xi32>
      %slice3A_168 = vector.extract_strided_slice %get3A_28 {offsets = [7], sizes = [1], strides = [1]} : vector<16xi32> to vector<1xi32>
      %squeeze3A_169 = vector.extract %slice3A_168[0] : i32 from vector<1xi32>
      %mul3A_170 = arith.constant 8 : i32
      %mul3A_171 = arith.muli %scan3A_19, %mul3A_170 : i32
      %add3A_172 = arith.constant 3 : i32
      %add3A_173 = arith.addi %mul3A_171, %add3A_172 : i32
      %dma_start3A_174 = arith.constant 64 : i32
      %dma_start3A_175 = tpu.memref_slice %arg9[%add3A_173, %dma_start3A_174] : memref<256x128xf32, #tpu.memory_space<vmem>> -> memref<1x64xf32, #tpu.memory_space<vmem>>
      %dma_start3A_176 = tpu.memref_squeeze %dma_start3A_175 : memref<1x64xf32, #tpu.memory_space<vmem>> -> memref<64xf32, #tpu.memory_space<vmem>>
      %dma_start3A_177 = arith.constant 0 : i32
      %dma_start3A_178 = tpu.memref_slice %arg5[%squeeze3A_167, %squeeze3A_169, %dma_start3A_177] : memref<125000x8x64xf32, #tpu.memory_space<hbm>> -> memref<1x1x64xf32, #tpu.memory_space<hbm>>
      %dma_start3A_179 = tpu.memref_squeeze %dma_start3A_178 : memref<1x1x64xf32, #tpu.memory_space<hbm>> -> memref<64xf32, #tpu.memory_space<hbm>>
      %dma_start3A_180 = arith.constant 64 : i32
      %dma_start3A_181 = tpu.memref_slice %arg9[%add3A_173, %dma_start3A_180] : memref<256x128xf32, #tpu.memory_space<vmem>> -> memref<1x64xf32, #tpu.memory_space<vmem>>
      %dma_start3A_182 = tpu.memref_squeeze %dma_start3A_181 : memref<1x64xf32, #tpu.memory_space<vmem>> -> memref<64xf32, #tpu.memory_space<vmem>>
      %dma_start3A_183 = arith.constant 0 : i32
      %dma_start3A_184 = tpu.memref_slice %arg5[%squeeze3A_167, %squeeze3A_169, %dma_start3A_183] : memref<125000x8x64xf32, #tpu.memory_space<hbm>> -> memref<1x1x64xf32, #tpu.memory_space<hbm>>
      %dma_start3A_185 = tpu.memref_squeeze %dma_start3A_184 : memref<1x1x64xf32, #tpu.memory_space<hbm>> -> memref<64xf32, #tpu.memory_space<hbm>>
      tpu.enqueue_dma source(%dma_start3A_185 : memref<64xf32, #tpu.memory_space<hbm>>) target(%dma_start3A_182 : memref<64xf32, #tpu.memory_space<vmem>>) target_semaphore(%arg12 : memref<!tpu.dma_semaphore, #tpu.memory_space<semaphore_mem>>)
      %slice3A_186 = vector.extract_strided_slice %get3A_23 {offsets = [8], sizes = [1], strides = [1]} : vector<16xi32> to vector<1xi32>
      %squeeze3A_187 = vector.extract %slice3A_186[0] : i32 from vector<1xi32>
      %slice3A_188 = vector.extract_strided_slice %get3A_28 {offsets = [8], sizes = [1], strides = [1]} : vector<16xi32> to vector<1xi32>
      %squeeze3A_189 = vector.extract %slice3A_188[0] : i32 from vector<1xi32>
      %mul3A_190 = arith.constant 8 : i32
      %mul3A_191 = arith.muli %scan3A_19, %mul3A_190 : i32
      %add3A_192 = arith.constant 4 : i32
      %add3A_193 = arith.addi %mul3A_191, %add3A_192 : i32
      %dma_start3A_194 = arith.constant 0 : i32
      %dma_start3A_195 = tpu.memref_slice %arg9[%add3A_193, %dma_start3A_194] : memref<256x128xf32, #tpu.memory_space<vmem>> -> memref<1x64xf32, #tpu.memory_space<vmem>>
      %dma_start3A_196 = tpu.memref_squeeze %dma_start3A_195 : memref<1x64xf32, #tpu.memory_space<vmem>> -> memref<64xf32, #tpu.memory_space<vmem>>
      %dma_start3A_197 = arith.constant 0 : i32
      %dma_start3A_198 = tpu.memref_slice %arg5[%squeeze3A_187, %squeeze3A_189, %dma_start3A_197] : memref<125000x8x64xf32, #tpu.memory_space<hbm>> -> memref<1x1x64xf32, #tpu.memory_space<hbm>>
      %dma_start3A_199 = tpu.memref_squeeze %dma_start3A_198 : memref<1x1x64xf32, #tpu.memory_space<hbm>> -> memref<64xf32, #tpu.memory_space<hbm>>
      %dma_start3A_200 = arith.constant 0 : i32
      %dma_start3A_201 = tpu.memref_slice %arg9[%add3A_193, %dma_start3A_200] : memref<256x128xf32, #tpu.memory_space<vmem>> -> memref<1x64xf32, #tpu.memory_space<vmem>>
      %dma_start3A_202 = tpu.memref_squeeze %dma_start3A_201 : memref<1x64xf32, #tpu.memory_space<vmem>> -> memref<64xf32, #tpu.memory_space<vmem>>
      %dma_start3A_203 = arith.constant 0 : i32
      %dma_start3A_204 = tpu.memref_slice %arg5[%squeeze3A_187, %squeeze3A_189, %dma_start3A_203] : memref<125000x8x64xf32, #tpu.memory_space<hbm>> -> memref<1x1x64xf32, #tpu.memory_space<hbm>>
      %dma_start3A_205 = tpu.memref_squeeze %dma_start3A_204 : memref<1x1x64xf32, #tpu.memory_space<hbm>> -> memref<64xf32, #tpu.memory_space<hbm>>
      tpu.enqueue_dma source(%dma_start3A_205 : memref<64xf32, #tpu.memory_space<hbm>>) target(%dma_start3A_202 : memref<64xf32, #tpu.memory_space<vmem>>) target_semaphore(%arg12 : memref<!tpu.dma_semaphore, #tpu.memory_space<semaphore_mem>>)
      %slice3A_206 = vector.extract_strided_slice %get3A_23 {offsets = [9], sizes = [1], strides = [1]} : vector<16xi32> to vector<1xi32>
      %squeeze3A_207 = vector.extract %slice3A_206[0] : i32 from vector<1xi32>
      %slice3A_208 = vector.extract_strided_slice %get3A_28 {offsets = [9], sizes = [1], strides = [1]} : vector<16xi32> to vector<1xi32>
      %squeeze3A_209 = vector.extract %slice3A_208[0] : i32 from vector<1xi32>
      %mul3A_210 = arith.constant 8 : i32
      %mul3A_211 = arith.muli %scan3A_19, %mul3A_210 : i32
      %add3A_212 = arith.constant 4 : i32
      %add3A_213 = arith.addi %mul3A_211, %add3A_212 : i32
      %dma_start3A_214 = arith.constant 64 : i32
      %dma_start3A_215 = tpu.memref_slice %arg9[%add3A_213, %dma_start3A_214] : memref<256x128xf32, #tpu.memory_space<vmem>> -> memref<1x64xf32, #tpu.memory_space<vmem>>
      %dma_start3A_216 = tpu.memref_squeeze %dma_start3A_215 : memref<1x64xf32, #tpu.memory_space<vmem>> -> memref<64xf32, #tpu.memory_space<vmem>>
      %dma_start3A_217 = arith.constant 0 : i32
      %dma_start3A_218 = tpu.memref_slice %arg5[%squeeze3A_207, %squeeze3A_209, %dma_start3A_217] : memref<125000x8x64xf32, #tpu.memory_space<hbm>> -> memref<1x1x64xf32, #tpu.memory_space<hbm>>
      %dma_start3A_219 = tpu.memref_squeeze %dma_start3A_218 : memref<1x1x64xf32, #tpu.memory_space<hbm>> -> memref<64xf32, #tpu.memory_space<hbm>>
      %dma_start3A_220 = arith.constant 64 : i32
      %dma_start3A_221 = tpu.memref_slice %arg9[%add3A_213, %dma_start3A_220] : memref<256x128xf32, #tpu.memory_space<vmem>> -> memref<1x64xf32, #tpu.memory_space<vmem>>
      %dma_start3A_222 = tpu.memref_squeeze %dma_start3A_221 : memref<1x64xf32, #tpu.memory_space<vmem>> -> memref<64xf32, #tpu.memory_space<vmem>>
      %dma_start3A_223 = arith.constant 0 : i32
      %dma_start3A_224 = tpu.memref_slice %arg5[%squeeze3A_207, %squeeze3A_209, %dma_start3A_223] : memref<125000x8x64xf32, #tpu.memory_space<hbm>> -> memref<1x1x64xf32, #tpu.memory_space<hbm>>
      %dma_start3A_225 = tpu.memref_squeeze %dma_start3A_224 : memref<1x1x64xf32, #tpu.memory_space<hbm>> -> memref<64xf32, #tpu.memory_space<hbm>>
      tpu.enqueue_dma source(%dma_start3A_225 : memref<64xf32, #tpu.memory_space<hbm>>) target(%dma_start3A_222 : memref<64xf32, #tpu.memory_space<vmem>>) target_semaphore(%arg12 : memref<!tpu.dma_semaphore, #tpu.memory_space<semaphore_mem>>)
      %slice3A_226 = vector.extract_strided_slice %get3A_23 {offsets = [10], sizes = [1], strides = [1]} : vector<16xi32> to vector<1xi32>
      %squeeze3A_227 = vector.extract %slice3A_226[0] : i32 from vector<1xi32>
      %slice3A_228 = vector.extract_strided_slice %get3A_28 {offsets = [10], sizes = [1], strides = [1]} : vector<16xi32> to vector<1xi32>
      %squeeze3A_229 = vector.extract %slice3A_228[0] : i32 from vector<1xi32>
      %mul3A_230 = arith.constant 8 : i32
      %mul3A_231 = arith.muli %scan3A_19, %mul3A_230 : i32
      %add3A_232 = arith.constant 5 : i32
      %add3A_233 = arith.addi %mul3A_231, %add3A_232 : i32
      %dma_start3A_234 = arith.constant 0 : i32
      %dma_start3A_235 = tpu.memref_slice %arg9[%add3A_233, %dma_start3A_234] : memref<256x128xf32, #tpu.memory_space<vmem>> -> memref<1x64xf32, #tpu.memory_space<vmem>>
      %dma_start3A_236 = tpu.memref_squeeze %dma_start3A_235 : memref<1x64xf32, #tpu.memory_space<vmem>> -> memref<64xf32, #tpu.memory_space<vmem>>
      %dma_start3A_237 = arith.constant 0 : i32
      %dma_start3A_238 = tpu.memref_slice %arg5[%squeeze3A_227, %squeeze3A_229, %dma_start3A_237] : memref<125000x8x64xf32, #tpu.memory_space<hbm>> -> memref<1x1x64xf32, #tpu.memory_space<hbm>>
      %dma_start3A_239 = tpu.memref_squeeze %dma_start3A_238 : memref<1x1x64xf32, #tpu.memory_space<hbm>> -> memref<64xf32, #tpu.memory_space<hbm>>
      %dma_start3A_240 = arith.constant 0 : i32
      %dma_start3A_241 = tpu.memref_slice %arg9[%add3A_233, %dma_start3A_240] : memref<256x128xf32, #tpu.memory_space<vmem>> -> memref<1x64xf32, #tpu.memory_space<vmem>>
      %dma_start3A_242 = tpu.memref_squeeze %dma_start3A_241 : memref<1x64xf32, #tpu.memory_space<vmem>> -> memref<64xf32, #tpu.memory_space<vmem>>
      %dma_start3A_243 = arith.constant 0 : i32
      %dma_start3A_244 = tpu.memref_slice %arg5[%squeeze3A_227, %squeeze3A_229, %dma_start3A_243] : memref<125000x8x64xf32, #tpu.memory_space<hbm>> -> memref<1x1x64xf32, #tpu.memory_space<hbm>>
      %dma_start3A_245 = tpu.memref_squeeze %dma_start3A_244 : memref<1x1x64xf32, #tpu.memory_space<hbm>> -> memref<64xf32, #tpu.memory_space<hbm>>
      tpu.enqueue_dma source(%dma_start3A_245 : memref<64xf32, #tpu.memory_space<hbm>>) target(%dma_start3A_242 : memref<64xf32, #tpu.memory_space<vmem>>) target_semaphore(%arg12 : memref<!tpu.dma_semaphore, #tpu.memory_space<semaphore_mem>>)
      %slice3A_246 = vector.extract_strided_slice %get3A_23 {offsets = [11], sizes = [1], strides = [1]} : vector<16xi32> to vector<1xi32>
      %squeeze3A_247 = vector.extract %slice3A_246[0] : i32 from vector<1xi32>
      %slice3A_248 = vector.extract_strided_slice %get3A_28 {offsets = [11], sizes = [1], strides = [1]} : vector<16xi32> to vector<1xi32>
      %squeeze3A_249 = vector.extract %slice3A_248[0] : i32 from vector<1xi32>
      %mul3A_250 = arith.constant 8 : i32
      %mul3A_251 = arith.muli %scan3A_19, %mul3A_250 : i32
      %add3A_252 = arith.constant 5 : i32
      %add3A_253 = arith.addi %mul3A_251, %add3A_252 : i32
      %dma_start3A_254 = arith.constant 64 : i32
      %dma_start3A_255 = tpu.memref_slice %arg9[%add3A_253, %dma_start3A_254] : memref<256x128xf32, #tpu.memory_space<vmem>> -> memref<1x64xf32, #tpu.memory_space<vmem>>
      %dma_start3A_256 = tpu.memref_squeeze %dma_start3A_255 : memref<1x64xf32, #tpu.memory_space<vmem>> -> memref<64xf32, #tpu.memory_space<vmem>>
      %dma_start3A_257 = arith.constant 0 : i32
      %dma_start3A_258 = tpu.memref_slice %arg5[%squeeze3A_247, %squeeze3A_249, %dma_start3A_257] : memref<125000x8x64xf32, #tpu.memory_space<hbm>> -> memref<1x1x64xf32, #tpu.memory_space<hbm>>
      %dma_start3A_259 = tpu.memref_squeeze %dma_start3A_258 : memref<1x1x64xf32, #tpu.memory_space<hbm>> -> memref<64xf32, #tpu.memory_space<hbm>>
      %dma_start3A_260 = arith.constant 64 : i32
      %dma_start3A_261 = tpu.memref_slice %arg9[%add3A_253, %dma_start3A_260] : memref<256x128xf32, #tpu.memory_space<vmem>> -> memref<1x64xf32, #tpu.memory_space<vmem>>
      %dma_start3A_262 = tpu.memref_squeeze %dma_start3A_261 : memref<1x64xf32, #tpu.memory_space<vmem>> -> memref<64xf32, #tpu.memory_space<vmem>>
      %dma_start3A_263 = arith.constant 0 : i32
      %dma_start3A_264 = tpu.memref_slice %arg5[%squeeze3A_247, %squeeze3A_249, %dma_start3A_263] : memref<125000x8x64xf32, #tpu.memory_space<hbm>> -> memref<1x1x64xf32, #tpu.memory_space<hbm>>
      %dma_start3A_265 = tpu.memref_squeeze %dma_start3A_264 : memref<1x1x64xf32, #tpu.memory_space<hbm>> -> memref<64xf32, #tpu.memory_space<hbm>>
      tpu.enqueue_dma source(%dma_start3A_265 : memref<64xf32, #tpu.memory_space<hbm>>) target(%dma_start3A_262 : memref<64xf32, #tpu.memory_space<vmem>>) target_semaphore(%arg12 : memref<!tpu.dma_semaphore, #tpu.memory_space<semaphore_mem>>)
      %slice3A_266 = vector.extract_strided_slice %get3A_23 {offsets = [12], sizes = [1], strides = [1]} : vector<16xi32> to vector<1xi32>
      %squeeze3A_267 = vector.extract %slice3A_266[0] : i32 from vector<1xi32>
      %slice3A_268 = vector.extract_strided_slice %get3A_28 {offsets = [12], sizes = [1], strides = [1]} : vector<16xi32> to vector<1xi32>
      %squeeze3A_269 = vector.extract %slice3A_268[0] : i32 from vector<1xi32>
      %mul3A_270 = arith.constant 8 : i32
      %mul3A_271 = arith.muli %scan3A_19, %mul3A_270 : i32
      %add3A_272 = arith.constant 6 : i32
      %add3A_273 = arith.addi %mul3A_271, %add3A_272 : i32
      %dma_start3A_274 = arith.constant 0 : i32
      %dma_start3A_275 = tpu.memref_slice %arg9[%add3A_273, %dma_start3A_274] : memref<256x128xf32, #tpu.memory_space<vmem>> -> memref<1x64xf32, #tpu.memory_space<vmem>>
      %dma_start3A_276 = tpu.memref_squeeze %dma_start3A_275 : memref<1x64xf32, #tpu.memory_space<vmem>> -> memref<64xf32, #tpu.memory_space<vmem>>
      %dma_start3A_277 = arith.constant 0 : i32
      %dma_start3A_278 = tpu.memref_slice %arg5[%squeeze3A_267, %squeeze3A_269, %dma_start3A_277] : memref<125000x8x64xf32, #tpu.memory_space<hbm>> -> memref<1x1x64xf32, #tpu.memory_space<hbm>>
      %dma_start3A_279 = tpu.memref_squeeze %dma_start3A_278 : memref<1x1x64xf32, #tpu.memory_space<hbm>> -> memref<64xf32, #tpu.memory_space<hbm>>
      %dma_start3A_280 = arith.constant 0 : i32
      %dma_start3A_281 = tpu.memref_slice %arg9[%add3A_273, %dma_start3A_280] : memref<256x128xf32, #tpu.memory_space<vmem>> -> memref<1x64xf32, #tpu.memory_space<vmem>>
      %dma_start3A_282 = tpu.memref_squeeze %dma_start3A_281 : memref<1x64xf32, #tpu.memory_space<vmem>> -> memref<64xf32, #tpu.memory_space<vmem>>
      %dma_start3A_283 = arith.constant 0 : i32
      %dma_start3A_284 = tpu.memref_slice %arg5[%squeeze3A_267, %squeeze3A_269, %dma_start3A_283] : memref<125000x8x64xf32, #tpu.memory_space<hbm>> -> memref<1x1x64xf32, #tpu.memory_space<hbm>>
      %dma_start3A_285 = tpu.memref_squeeze %dma_start3A_284 : memref<1x1x64xf32, #tpu.memory_space<hbm>> -> memref<64xf32, #tpu.memory_space<hbm>>
      tpu.enqueue_dma source(%dma_start3A_285 : memref<64xf32, #tpu.memory_space<hbm>>) target(%dma_start3A_282 : memref<64xf32, #tpu.memory_space<vmem>>) target_semaphore(%arg12 : memref<!tpu.dma_semaphore, #tpu.memory_space<semaphore_mem>>)
      %slice3A_286 = vector.extract_strided_slice %get3A_23 {offsets = [13], sizes = [1], strides = [1]} : vector<16xi32> to vector<1xi32>
      %squeeze3A_287 = vector.extract %slice3A_286[0] : i32 from vector<1xi32>
      %slice3A_288 = vector.extract_strided_slice %get3A_28 {offsets = [13], sizes = [1], strides = [1]} : vector<16xi32> to vector<1xi32>
      %squeeze3A_289 = vector.extract %slice3A_288[0] : i32 from vector<1xi32>
      %mul3A_290 = arith.constant 8 : i32
      %mul3A_291 = arith.muli %scan3A_19, %mul3A_290 : i32
      %add3A_292 = arith.constant 6 : i32
      %add3A_293 = arith.addi %mul3A_291, %add3A_292 : i32
      %dma_start3A_294 = arith.constant 64 : i32
      %dma_start3A_295 = tpu.memref_slice %arg9[%add3A_293, %dma_start3A_294] : memref<256x128xf32, #tpu.memory_space<vmem>> -> memref<1x64xf32, #tpu.memory_space<vmem>>
      %dma_start3A_296 = tpu.memref_squeeze %dma_start3A_295 : memref<1x64xf32, #tpu.memory_space<vmem>> -> memref<64xf32, #tpu.memory_space<vmem>>
      %dma_start3A_297 = arith.constant 0 : i32
      %dma_start3A_298 = tpu.memref_slice %arg5[%squeeze3A_287, %squeeze3A_289, %dma_start3A_297] : memref<125000x8x64xf32, #tpu.memory_space<hbm>> -> memref<1x1x64xf32, #tpu.memory_space<hbm>>
      %dma_start3A_299 = tpu.memref_squeeze %dma_start3A_298 : memref<1x1x64xf32, #tpu.memory_space<hbm>> -> memref<64xf32, #tpu.memory_space<hbm>>
      %dma_start3A_300 = arith.constant 64 : i32
      %dma_start3A_301 = tpu.memref_slice %arg9[%add3A_293, %dma_start3A_300] : memref<256x128xf32, #tpu.memory_space<vmem>> -> memref<1x64xf32, #tpu.memory_space<vmem>>
      %dma_start3A_302 = tpu.memref_squeeze %dma_start3A_301 : memref<1x64xf32, #tpu.memory_space<vmem>> -> memref<64xf32, #tpu.memory_space<vmem>>
      %dma_start3A_303 = arith.constant 0 : i32
      %dma_start3A_304 = tpu.memref_slice %arg5[%squeeze3A_287, %squeeze3A_289, %dma_start3A_303] : memref<125000x8x64xf32, #tpu.memory_space<hbm>> -> memref<1x1x64xf32, #tpu.memory_space<hbm>>
      %dma_start3A_305 = tpu.memref_squeeze %dma_start3A_304 : memref<1x1x64xf32, #tpu.memory_space<hbm>> -> memref<64xf32, #tpu.memory_space<hbm>>
      tpu.enqueue_dma source(%dma_start3A_305 : memref<64xf32, #tpu.memory_space<hbm>>) target(%dma_start3A_302 : memref<64xf32, #tpu.memory_space<vmem>>) target_semaphore(%arg12 : memref<!tpu.dma_semaphore, #tpu.memory_space<semaphore_mem>>)
      %slice3A_306 = vector.extract_strided_slice %get3A_23 {offsets = [14], sizes = [1], strides = [1]} : vector<16xi32> to vector<1xi32>
      %squeeze3A_307 = vector.extract %slice3A_306[0] : i32 from vector<1xi32>
      %slice3A_308 = vector.extract_strided_slice %get3A_28 {offsets = [14], sizes = [1], strides = [1]} : vector<16xi32> to vector<1xi32>
      %squeeze3A_309 = vector.extract %slice3A_308[0] : i32 from vector<1xi32>
      %mul3A_310 = arith.constant 8 : i32
      %mul3A_311 = arith.muli %scan3A_19, %mul3A_310 : i32
      %add3A_312 = arith.constant 7 : i32
      %add3A_313 = arith.addi %mul3A_311, %add3A_312 : i32
      %dma_start3A_314 = arith.constant 0 : i32
      %dma_start3A_315 = tpu.memref_slice %arg9[%add3A_313, %dma_start3A_314] : memref<256x128xf32, #tpu.memory_space<vmem>> -> memref<1x64xf32, #tpu.memory_space<vmem>>
      %dma_start3A_316 = tpu.memref_squeeze %dma_start3A_315 : memref<1x64xf32, #tpu.memory_space<vmem>> -> memref<64xf32, #tpu.memory_space<vmem>>
      %dma_start3A_317 = arith.constant 0 : i32
      %dma_start3A_318 = tpu.memref_slice %arg5[%squeeze3A_307, %squeeze3A_309, %dma_start3A_317] : memref<125000x8x64xf32, #tpu.memory_space<hbm>> -> memref<1x1x64xf32, #tpu.memory_space<hbm>>
      %dma_start3A_319 = tpu.memref_squeeze %dma_start3A_318 : memref<1x1x64xf32, #tpu.memory_space<hbm>> -> memref<64xf32, #tpu.memory_space<hbm>>
      %dma_start3A_320 = arith.constant 0 : i32
      %dma_start3A_321 = tpu.memref_slice %arg9[%add3A_313, %dma_start3A_320] : memref<256x128xf32, #tpu.memory_space<vmem>> -> memref<1x64xf32, #tpu.memory_space<vmem>>
      %dma_start3A_322 = tpu.memref_squeeze %dma_start3A_321 : memref<1x64xf32, #tpu.memory_space<vmem>> -> memref<64xf32, #tpu.memory_space<vmem>>
      %dma_start3A_323 = arith.constant 0 : i32
      %dma_start3A_324 = tpu.memref_slice %arg5[%squeeze3A_307, %squeeze3A_309, %dma_start3A_323] : memref<125000x8x64xf32, #tpu.memory_space<hbm>> -> memref<1x1x64xf32, #tpu.memory_space<hbm>>
      %dma_start3A_325 = tpu.memref_squeeze %dma_start3A_324 : memref<1x1x64xf32, #tpu.memory_space<hbm>> -> memref<64xf32, #tpu.memory_space<hbm>>
      tpu.enqueue_dma source(%dma_start3A_325 : memref<64xf32, #tpu.memory_space<hbm>>) target(%dma_start3A_322 : memref<64xf32, #tpu.memory_space<vmem>>) target_semaphore(%arg12 : memref<!tpu.dma_semaphore, #tpu.memory_space<semaphore_mem>>)
      %slice3A_326 = vector.extract_strided_slice %get3A_23 {offsets = [15], sizes = [1], strides = [1]} : vector<16xi32> to vector<1xi32>
      %squeeze3A_327 = vector.extract %slice3A_326[0] : i32 from vector<1xi32>
      %slice3A_328 = vector.extract_strided_slice %get3A_28 {offsets = [15], sizes = [1], strides = [1]} : vector<16xi32> to vector<1xi32>
      %squeeze3A_329 = vector.extract %slice3A_328[0] : i32 from vector<1xi32>
      %mul3A_330 = arith.constant 8 : i32
      %mul3A_331 = arith.muli %scan3A_19, %mul3A_330 : i32
      %add3A_332 = arith.constant 7 : i32
      %add3A_333 = arith.addi %mul3A_331, %add3A_332 : i32
      %dma_start3A_334 = arith.constant 64 : i32
      %dma_start3A_335 = tpu.memref_slice %arg9[%add3A_333, %dma_start3A_334] : memref<256x128xf32, #tpu.memory_space<vmem>> -> memref<1x64xf32, #tpu.memory_space<vmem>>
      %dma_start3A_336 = tpu.memref_squeeze %dma_start3A_335 : memref<1x64xf32, #tpu.memory_space<vmem>> -> memref<64xf32, #tpu.memory_space<vmem>>
      %dma_start3A_337 = arith.constant 0 : i32
      %dma_start3A_338 = tpu.memref_slice %arg5[%squeeze3A_327, %squeeze3A_329, %dma_start3A_337] : memref<125000x8x64xf32, #tpu.memory_space<hbm>> -> memref<1x1x64xf32, #tpu.memory_space<hbm>>
      %dma_start3A_339 = tpu.memref_squeeze %dma_start3A_338 : memref<1x1x64xf32, #tpu.memory_space<hbm>> -> memref<64xf32, #tpu.memory_space<hbm>>
      %dma_start3A_340 = arith.constant 64 : i32
      %dma_start3A_341 = tpu.memref_slice %arg9[%add3A_333, %dma_start3A_340] : memref<256x128xf32, #tpu.memory_space<vmem>> -> memref<1x64xf32, #tpu.memory_space<vmem>>
      %dma_start3A_342 = tpu.memref_squeeze %dma_start3A_341 : memref<1x64xf32, #tpu.memory_space<vmem>> -> memref<64xf32, #tpu.memory_space<vmem>>
      %dma_start3A_343 = arith.constant 0 : i32
      %dma_start3A_344 = tpu.memref_slice %arg5[%squeeze3A_327, %squeeze3A_329, %dma_start3A_343] : memref<125000x8x64xf32, #tpu.memory_space<hbm>> -> memref<1x1x64xf32, #tpu.memory_space<hbm>>
      %dma_start3A_345 = tpu.memref_squeeze %dma_start3A_344 : memref<1x1x64xf32, #tpu.memory_space<hbm>> -> memref<64xf32, #tpu.memory_space<hbm>>
      tpu.enqueue_dma source(%dma_start3A_345 : memref<64xf32, #tpu.memory_space<hbm>>) target(%dma_start3A_342 : memref<64xf32, #tpu.memory_space<vmem>>) target_semaphore(%arg12 : memref<!tpu.dma_semaphore, #tpu.memory_space<semaphore_mem>>)
    }
    %scan3A_5 = arith.constant 32 : i32
    "tpu.region"() ({
      %run_scoped3A = tpu.sem_alloc : memref<!tpu.dma_semaphore, #tpu.memory_space<semaphore_mem>>
      %dma_start3A = arith.constant 0 : i32
      %dma_start3A_19 = arith.constant 0 : i32
      %dma_start3A_20 = arith.constant 0 : i32
      %dma_start3A_21 = tpu.memref_slice %arg2[%add3A, %dma_start3A, %dma_start3A_19, %dma_start3A_20] : memref<32x64x8x64xf32, #tpu.memory_space<hbm>> -> memref<1x64x8x64xf32, #tpu.memory_space<hbm>>
      %dma_start3A_22 = tpu.memref_squeeze %dma_start3A_21 : memref<1x64x8x64xf32, #tpu.memory_space<hbm>> -> memref<64x8x64xf32, #tpu.memory_space<hbm>>
      %dma_start3A_23 = arith.constant 0 : i32
      %dma_start3A_24 = arith.constant 0 : i32
      %dma_start3A_25 = arith.constant 0 : i32
      %dma_start3A_26 = tpu.memref_slice %arg2[%add3A, %dma_start3A_23, %dma_start3A_24, %dma_start3A_25] : memref<32x64x8x64xf32, #tpu.memory_space<hbm>> -> memref<1x64x8x64xf32, #tpu.memory_space<hbm>>
      %dma_start3A_27 = tpu.memref_squeeze %dma_start3A_26 : memref<1x64x8x64xf32, #tpu.memory_space<hbm>> -> memref<64x8x64xf32, #tpu.memory_space<hbm>>
      tpu.enqueue_dma source(%dma_start3A_27 : memref<64x8x64xf32, #tpu.memory_space<hbm>>) target(%arg10 : memref<64x8x64xf32, #tpu.memory_space<vmem>>) target_semaphore(%run_scoped3A : memref<!tpu.dma_semaphore, #tpu.memory_space<semaphore_mem>>)
      %dma_wait3A = arith.constant 0 : i32
      %dma_wait3A_28 = arith.constant 0 : i32
      %dma_wait3A_29 = arith.constant 0 : i32
      %dma_wait3A_30 = tpu.memref_slice %arg2[%add3A, %dma_wait3A, %dma_wait3A_28, %dma_wait3A_29] : memref<32x64x8x64xf32, #tpu.memory_space<hbm>> -> memref<1x64x8x64xf32, #tpu.memory_space<hbm>>
      %dma_wait3A_31 = tpu.memref_squeeze %dma_wait3A_30 : memref<1x64x8x64xf32, #tpu.memory_space<hbm>> -> memref<64x8x64xf32, #tpu.memory_space<hbm>>
      %dma_wait3A_32 = arith.constant 0 : i32
      %dma_wait3A_33 = arith.constant 0 : i32
      %dma_wait3A_34 = arith.constant 0 : i32
      %dma_wait3A_35 = tpu.memref_slice %arg2[%add3A, %dma_wait3A_32, %dma_wait3A_33, %dma_wait3A_34] : memref<32x64x8x64xf32, #tpu.memory_space<hbm>> -> memref<1x64x8x64xf32, #tpu.memory_space<hbm>>
      %dma_wait3A_36 = tpu.memref_squeeze %dma_wait3A_35 : memref<1x64x8x64xf32, #tpu.memory_space<hbm>> -> memref<64x8x64xf32, #tpu.memory_space<hbm>>
      tpu.wait_dma2 semaphore(%run_scoped3A : memref<!tpu.dma_semaphore, #tpu.memory_space<semaphore_mem>>) src(%dma_wait3A_36 : memref<64x8x64xf32, #tpu.memory_space<hbm>>) dst(%arg10 : memref<64x8x64xf32, #tpu.memory_space<vmem>>)
      tpu.yield
    }) : () -> ()
    %broadcast_in_dim3A = arith.constant 0.000000e+00 : f32
    %broadcast_in_dim3A_6 = vector.broadcast %broadcast_in_dim3A : f32 to vector<16xf32>
    %scan3A_7 = arith.constant 0 : i32
    %scan3A_8 = arith.constant 32 : i32
    %scan3A_9 = arith.addi %scan3A_7, %scan3A_8 : i32
    %scan3A_10 = arith.constant 1 : i32
    %scan3A_11:4 = scf.for %scan3A_19 = %scan3A_7 to %scan3A_9 step %scan3A_10 iter_args(%scan3A_20 = %broadcast_in_dim3A_6, %scan3A_21 = %broadcast_in_dim3A_6, %scan3A_22 = %broadcast_in_dim3A_6, %scan3A_23 = %broadcast_in_dim3A_6) -> (vector<16xf32>, vector<16xf32>, vector<16xf32>, vector<16xf32>)  : i32 {
      %mul3A_24 = arith.constant 8 : i32
      %mul3A_25 = arith.muli %scan3A_19, %mul3A_24 : i32
      %add3A_26 = arith.constant 0 : i32
      %add3A_27 = arith.addi %mul3A_25, %add3A_26 : i32
      %dma_wait3A = arith.constant 0 : i32
      %dma_wait3A_28 = arith.constant 0 : i32
      %dma_wait3A_29 = arith.constant 0 : i32
      %dma_wait3A_30 = tpu.memref_slice %arg9[%add3A_27, %dma_wait3A_29] : memref<256x128xf32, #tpu.memory_space<vmem>> -> memref<1x64xf32, #tpu.memory_space<vmem>>
      %dma_wait3A_31 = tpu.memref_squeeze %dma_wait3A_30 : memref<1x64xf32, #tpu.memory_space<vmem>> -> memref<64xf32, #tpu.memory_space<vmem>>
      %dma_wait3A_32 = arith.constant 0 : i32
      %dma_wait3A_33 = tpu.memref_slice %arg5[%dma_wait3A, %dma_wait3A_28, %dma_wait3A_32] : memref<125000x8x64xf32, #tpu.memory_space<hbm>> -> memref<1x1x64xf32, #tpu.memory_space<hbm>>
      %dma_wait3A_34 = tpu.memref_squeeze %dma_wait3A_33 : memref<1x1x64xf32, #tpu.memory_space<hbm>> -> memref<64xf32, #tpu.memory_space<hbm>>
      %dma_wait3A_35 = arith.constant 0 : i32
      %dma_wait3A_36 = tpu.memref_slice %arg9[%add3A_27, %dma_wait3A_35] : memref<256x128xf32, #tpu.memory_space<vmem>> -> memref<1x64xf32, #tpu.memory_space<vmem>>
      %dma_wait3A_37 = tpu.memref_squeeze %dma_wait3A_36 : memref<1x64xf32, #tpu.memory_space<vmem>> -> memref<64xf32, #tpu.memory_space<vmem>>
      %dma_wait3A_38 = arith.constant 0 : i32
      %dma_wait3A_39 = tpu.memref_slice %arg5[%dma_wait3A, %dma_wait3A_28, %dma_wait3A_38] : memref<125000x8x64xf32, #tpu.memory_space<hbm>> -> memref<1x1x64xf32, #tpu.memory_space<hbm>>
      %dma_wait3A_40 = tpu.memref_squeeze %dma_wait3A_39 : memref<1x1x64xf32, #tpu.memory_space<hbm>> -> memref<64xf32, #tpu.memory_space<hbm>>
      tpu.wait_dma2 semaphore(%arg12 : memref<!tpu.dma_semaphore, #tpu.memory_space<semaphore_mem>>) src(%dma_wait3A_40 : memref<64xf32, #tpu.memory_space<hbm>>) dst(%dma_wait3A_37 : memref<64xf32, #tpu.memory_space<vmem>>)
      %mul3A_41 = arith.constant 8 : i32
      %mul3A_42 = arith.muli %scan3A_19, %mul3A_41 : i32
      %add3A_43 = arith.constant 0 : i32
      %add3A_44 = arith.addi %mul3A_42, %add3A_43 : i32
      %dma_wait3A_45 = arith.constant 0 : i32
      %dma_wait3A_46 = arith.constant 0 : i32
      %dma_wait3A_47 = arith.constant 64 : i32
      %dma_wait3A_48 = tpu.memref_slice %arg9[%add3A_44, %dma_wait3A_47] : memref<256x128xf32, #tpu.memory_space<vmem>> -> memref<1x64xf32, #tpu.memory_space<vmem>>
      %dma_wait3A_49 = tpu.memref_squeeze %dma_wait3A_48 : memref<1x64xf32, #tpu.memory_space<vmem>> -> memref<64xf32, #tpu.memory_space<vmem>>
      %dma_wait3A_50 = arith.constant 0 : i32
      %dma_wait3A_51 = tpu.memref_slice %arg5[%dma_wait3A_45, %dma_wait3A_46, %dma_wait3A_50] : memref<125000x8x64xf32, #tpu.memory_space<hbm>> -> memref<1x1x64xf32, #tpu.memory_space<hbm>>
      %dma_wait3A_52 = tpu.memref_squeeze %dma_wait3A_51 : memref<1x1x64xf32, #tpu.memory_space<hbm>> -> memref<64xf32, #tpu.memory_space<hbm>>
      %dma_wait3A_53 = arith.constant 64 : i32
      %dma_wait3A_54 = tpu.memref_slice %arg9[%add3A_44, %dma_wait3A_53] : memref<256x128xf32, #tpu.memory_space<vmem>> -> memref<1x64xf32, #tpu.memory_space<vmem>>
      %dma_wait3A_55 = tpu.memref_squeeze %dma_wait3A_54 : memref<1x64xf32, #tpu.memory_space<vmem>> -> memref<64xf32, #tpu.memory_space<vmem>>
      %dma_wait3A_56 = arith.constant 0 : i32
      %dma_wait3A_57 = tpu.memref_slice %arg5[%dma_wait3A_45, %dma_wait3A_46, %dma_wait3A_56] : memref<125000x8x64xf32, #tpu.memory_space<hbm>> -> memref<1x1x64xf32, #tpu.memory_space<hbm>>
      %dma_wait3A_58 = tpu.memref_squeeze %dma_wait3A_57 : memref<1x1x64xf32, #tpu.memory_space<hbm>> -> memref<64xf32, #tpu.memory_space<hbm>>
      tpu.wait_dma2 semaphore(%arg12 : memref<!tpu.dma_semaphore, #tpu.memory_space<semaphore_mem>>) src(%dma_wait3A_58 : memref<64xf32, #tpu.memory_space<hbm>>) dst(%dma_wait3A_55 : memref<64xf32, #tpu.memory_space<vmem>>)
      %mul3A_59 = arith.constant 8 : i32
      %mul3A_60 = arith.muli %scan3A_19, %mul3A_59 : i32
      %add3A_61 = arith.constant 1 : i32
      %add3A_62 = arith.addi %mul3A_60, %add3A_61 : i32
      %dma_wait3A_63 = arith.constant 0 : i32
      %dma_wait3A_64 = arith.constant 0 : i32
      %dma_wait3A_65 = arith.constant 0 : i32
      %dma_wait3A_66 = tpu.memref_slice %arg9[%add3A_62, %dma_wait3A_65] : memref<256x128xf32, #tpu.memory_space<vmem>> -> memref<1x64xf32, #tpu.memory_space<vmem>>
      %dma_wait3A_67 = tpu.memref_squeeze %dma_wait3A_66 : memref<1x64xf32, #tpu.memory_space<vmem>> -> memref<64xf32, #tpu.memory_space<vmem>>
      %dma_wait3A_68 = arith.constant 0 : i32
      %dma_wait3A_69 = tpu.memref_slice %arg5[%dma_wait3A_63, %dma_wait3A_64, %dma_wait3A_68] : memref<125000x8x64xf32, #tpu.memory_space<hbm>> -> memref<1x1x64xf32, #tpu.memory_space<hbm>>
      %dma_wait3A_70 = tpu.memref_squeeze %dma_wait3A_69 : memref<1x1x64xf32, #tpu.memory_space<hbm>> -> memref<64xf32, #tpu.memory_space<hbm>>
      %dma_wait3A_71 = arith.constant 0 : i32
      %dma_wait3A_72 = tpu.memref_slice %arg9[%add3A_62, %dma_wait3A_71] : memref<256x128xf32, #tpu.memory_space<vmem>> -> memref<1x64xf32, #tpu.memory_space<vmem>>
      %dma_wait3A_73 = tpu.memref_squeeze %dma_wait3A_72 : memref<1x64xf32, #tpu.memory_space<vmem>> -> memref<64xf32, #tpu.memory_space<vmem>>
      %dma_wait3A_74 = arith.constant 0 : i32
      %dma_wait3A_75 = tpu.memref_slice %arg5[%dma_wait3A_63, %dma_wait3A_64, %dma_wait3A_74] : memref<125000x8x64xf32, #tpu.memory_space<hbm>> -> memref<1x1x64xf32, #tpu.memory_space<hbm>>
      %dma_wait3A_76 = tpu.memref_squeeze %dma_wait3A_75 : memref<1x1x64xf32, #tpu.memory_space<hbm>> -> memref<64xf32, #tpu.memory_space<hbm>>
      tpu.wait_dma2 semaphore(%arg12 : memref<!tpu.dma_semaphore, #tpu.memory_space<semaphore_mem>>) src(%dma_wait3A_76 : memref<64xf32, #tpu.memory_space<hbm>>) dst(%dma_wait3A_73 : memref<64xf32, #tpu.memory_space<vmem>>)
      %mul3A_77 = arith.constant 8 : i32
      %mul3A_78 = arith.muli %scan3A_19, %mul3A_77 : i32
      %add3A_79 = arith.constant 1 : i32
      %add3A_80 = arith.addi %mul3A_78, %add3A_79 : i32
      %dma_wait3A_81 = arith.constant 0 : i32
      %dma_wait3A_82 = arith.constant 0 : i32
      %dma_wait3A_83 = arith.constant 64 : i32
      %dma_wait3A_84 = tpu.memref_slice %arg9[%add3A_80, %dma_wait3A_83] : memref<256x128xf32, #tpu.memory_space<vmem>> -> memref<1x64xf32, #tpu.memory_space<vmem>>
      %dma_wait3A_85 = tpu.memref_squeeze %dma_wait3A_84 : memref<1x64xf32, #tpu.memory_space<vmem>> -> memref<64xf32, #tpu.memory_space<vmem>>
      %dma_wait3A_86 = arith.constant 0 : i32
      %dma_wait3A_87 = tpu.memref_slice %arg5[%dma_wait3A_81, %dma_wait3A_82, %dma_wait3A_86] : memref<125000x8x64xf32, #tpu.memory_space<hbm>> -> memref<1x1x64xf32, #tpu.memory_space<hbm>>
      %dma_wait3A_88 = tpu.memref_squeeze %dma_wait3A_87 : memref<1x1x64xf32, #tpu.memory_space<hbm>> -> memref<64xf32, #tpu.memory_space<hbm>>
      %dma_wait3A_89 = arith.constant 64 : i32
      %dma_wait3A_90 = tpu.memref_slice %arg9[%add3A_80, %dma_wait3A_89] : memref<256x128xf32, #tpu.memory_space<vmem>> -> memref<1x64xf32, #tpu.memory_space<vmem>>
      %dma_wait3A_91 = tpu.memref_squeeze %dma_wait3A_90 : memref<1x64xf32, #tpu.memory_space<vmem>> -> memref<64xf32, #tpu.memory_space<vmem>>
      %dma_wait3A_92 = arith.constant 0 : i32
      %dma_wait3A_93 = tpu.memref_slice %arg5[%dma_wait3A_81, %dma_wait3A_82, %dma_wait3A_92] : memref<125000x8x64xf32, #tpu.memory_space<hbm>> -> memref<1x1x64xf32, #tpu.memory_space<hbm>>
      %dma_wait3A_94 = tpu.memref_squeeze %dma_wait3A_93 : memref<1x1x64xf32, #tpu.memory_space<hbm>> -> memref<64xf32, #tpu.memory_space<hbm>>
      tpu.wait_dma2 semaphore(%arg12 : memref<!tpu.dma_semaphore, #tpu.memory_space<semaphore_mem>>) src(%dma_wait3A_94 : memref<64xf32, #tpu.memory_space<hbm>>) dst(%dma_wait3A_91 : memref<64xf32, #tpu.memory_space<vmem>>)
      %mul3A_95 = arith.constant 8 : i32
      %mul3A_96 = arith.muli %scan3A_19, %mul3A_95 : i32
      %add3A_97 = arith.constant 2 : i32
      %add3A_98 = arith.addi %mul3A_96, %add3A_97 : i32
      %dma_wait3A_99 = arith.constant 0 : i32
      %dma_wait3A_100 = arith.constant 0 : i32
      %dma_wait3A_101 = arith.constant 0 : i32
      %dma_wait3A_102 = tpu.memref_slice %arg9[%add3A_98, %dma_wait3A_101] : memref<256x128xf32, #tpu.memory_space<vmem>> -> memref<1x64xf32, #tpu.memory_space<vmem>>
      %dma_wait3A_103 = tpu.memref_squeeze %dma_wait3A_102 : memref<1x64xf32, #tpu.memory_space<vmem>> -> memref<64xf32, #tpu.memory_space<vmem>>
      %dma_wait3A_104 = arith.constant 0 : i32
      %dma_wait3A_105 = tpu.memref_slice %arg5[%dma_wait3A_99, %dma_wait3A_100, %dma_wait3A_104] : memref<125000x8x64xf32, #tpu.memory_space<hbm>> -> memref<1x1x64xf32, #tpu.memory_space<hbm>>
      %dma_wait3A_106 = tpu.memref_squeeze %dma_wait3A_105 : memref<1x1x64xf32, #tpu.memory_space<hbm>> -> memref<64xf32, #tpu.memory_space<hbm>>
      %dma_wait3A_107 = arith.constant 0 : i32
      %dma_wait3A_108 = tpu.memref_slice %arg9[%add3A_98, %dma_wait3A_107] : memref<256x128xf32, #tpu.memory_space<vmem>> -> memref<1x64xf32, #tpu.memory_space<vmem>>
      %dma_wait3A_109 = tpu.memref_squeeze %dma_wait3A_108 : memref<1x64xf32, #tpu.memory_space<vmem>> -> memref<64xf32, #tpu.memory_space<vmem>>
      %dma_wait3A_110 = arith.constant 0 : i32
      %dma_wait3A_111 = tpu.memref_slice %arg5[%dma_wait3A_99, %dma_wait3A_100, %dma_wait3A_110] : memref<125000x8x64xf32, #tpu.memory_space<hbm>> -> memref<1x1x64xf32, #tpu.memory_space<hbm>>
      %dma_wait3A_112 = tpu.memref_squeeze %dma_wait3A_111 : memref<1x1x64xf32, #tpu.memory_space<hbm>> -> memref<64xf32, #tpu.memory_space<hbm>>
      tpu.wait_dma2 semaphore(%arg12 : memref<!tpu.dma_semaphore, #tpu.memory_space<semaphore_mem>>) src(%dma_wait3A_112 : memref<64xf32, #tpu.memory_space<hbm>>) dst(%dma_wait3A_109 : memref<64xf32, #tpu.memory_space<vmem>>)
      %mul3A_113 = arith.constant 8 : i32
      %mul3A_114 = arith.muli %scan3A_19, %mul3A_113 : i32
      %add3A_115 = arith.constant 2 : i32
      %add3A_116 = arith.addi %mul3A_114, %add3A_115 : i32
      %dma_wait3A_117 = arith.constant 0 : i32
      %dma_wait3A_118 = arith.constant 0 : i32
      %dma_wait3A_119 = arith.constant 64 : i32
      %dma_wait3A_120 = tpu.memref_slice %arg9[%add3A_116, %dma_wait3A_119] : memref<256x128xf32, #tpu.memory_space<vmem>> -> memref<1x64xf32, #tpu.memory_space<vmem>>
      %dma_wait3A_121 = tpu.memref_squeeze %dma_wait3A_120 : memref<1x64xf32, #tpu.memory_space<vmem>> -> memref<64xf32, #tpu.memory_space<vmem>>
      %dma_wait3A_122 = arith.constant 0 : i32
      %dma_wait3A_123 = tpu.memref_slice %arg5[%dma_wait3A_117, %dma_wait3A_118, %dma_wait3A_122] : memref<125000x8x64xf32, #tpu.memory_space<hbm>> -> memref<1x1x64xf32, #tpu.memory_space<hbm>>
      %dma_wait3A_124 = tpu.memref_squeeze %dma_wait3A_123 : memref<1x1x64xf32, #tpu.memory_space<hbm>> -> memref<64xf32, #tpu.memory_space<hbm>>
      %dma_wait3A_125 = arith.constant 64 : i32
      %dma_wait3A_126 = tpu.memref_slice %arg9[%add3A_116, %dma_wait3A_125] : memref<256x128xf32, #tpu.memory_space<vmem>> -> memref<1x64xf32, #tpu.memory_space<vmem>>
      %dma_wait3A_127 = tpu.memref_squeeze %dma_wait3A_126 : memref<1x64xf32, #tpu.memory_space<vmem>> -> memref<64xf32, #tpu.memory_space<vmem>>
      %dma_wait3A_128 = arith.constant 0 : i32
      %dma_wait3A_129 = tpu.memref_slice %arg5[%dma_wait3A_117, %dma_wait3A_118, %dma_wait3A_128] : memref<125000x8x64xf32, #tpu.memory_space<hbm>> -> memref<1x1x64xf32, #tpu.memory_space<hbm>>
      %dma_wait3A_130 = tpu.memref_squeeze %dma_wait3A_129 : memref<1x1x64xf32, #tpu.memory_space<hbm>> -> memref<64xf32, #tpu.memory_space<hbm>>
      tpu.wait_dma2 semaphore(%arg12 : memref<!tpu.dma_semaphore, #tpu.memory_space<semaphore_mem>>) src(%dma_wait3A_130 : memref<64xf32, #tpu.memory_space<hbm>>) dst(%dma_wait3A_127 : memref<64xf32, #tpu.memory_space<vmem>>)
      %mul3A_131 = arith.constant 8 : i32
      %mul3A_132 = arith.muli %scan3A_19, %mul3A_131 : i32
      %add3A_133 = arith.constant 3 : i32
      %add3A_134 = arith.addi %mul3A_132, %add3A_133 : i32
      %dma_wait3A_135 = arith.constant 0 : i32
      %dma_wait3A_136 = arith.constant 0 : i32
      %dma_wait3A_137 = arith.constant 0 : i32
      %dma_wait3A_138 = tpu.memref_slice %arg9[%add3A_134, %dma_wait3A_137] : memref<256x128xf32, #tpu.memory_space<vmem>> -> memref<1x64xf32, #tpu.memory_space<vmem>>
      %dma_wait3A_139 = tpu.memref_squeeze %dma_wait3A_138 : memref<1x64xf32, #tpu.memory_space<vmem>> -> memref<64xf32, #tpu.memory_space<vmem>>
      %dma_wait3A_140 = arith.constant 0 : i32
      %dma_wait3A_141 = tpu.memref_slice %arg5[%dma_wait3A_135, %dma_wait3A_136, %dma_wait3A_140] : memref<125000x8x64xf32, #tpu.memory_space<hbm>> -> memref<1x1x64xf32, #tpu.memory_space<hbm>>
      %dma_wait3A_142 = tpu.memref_squeeze %dma_wait3A_141 : memref<1x1x64xf32, #tpu.memory_space<hbm>> -> memref<64xf32, #tpu.memory_space<hbm>>
      %dma_wait3A_143 = arith.constant 0 : i32
      %dma_wait3A_144 = tpu.memref_slice %arg9[%add3A_134, %dma_wait3A_143] : memref<256x128xf32, #tpu.memory_space<vmem>> -> memref<1x64xf32, #tpu.memory_space<vmem>>
      %dma_wait3A_145 = tpu.memref_squeeze %dma_wait3A_144 : memref<1x64xf32, #tpu.memory_space<vmem>> -> memref<64xf32, #tpu.memory_space<vmem>>
      %dma_wait3A_146 = arith.constant 0 : i32
      %dma_wait3A_147 = tpu.memref_slice %arg5[%dma_wait3A_135, %dma_wait3A_136, %dma_wait3A_146] : memref<125000x8x64xf32, #tpu.memory_space<hbm>> -> memref<1x1x64xf32, #tpu.memory_space<hbm>>
      %dma_wait3A_148 = tpu.memref_squeeze %dma_wait3A_147 : memref<1x1x64xf32, #tpu.memory_space<hbm>> -> memref<64xf32, #tpu.memory_space<hbm>>
      tpu.wait_dma2 semaphore(%arg12 : memref<!tpu.dma_semaphore, #tpu.memory_space<semaphore_mem>>) src(%dma_wait3A_148 : memref<64xf32, #tpu.memory_space<hbm>>) dst(%dma_wait3A_145 : memref<64xf32, #tpu.memory_space<vmem>>)
      %mul3A_149 = arith.constant 8 : i32
      %mul3A_150 = arith.muli %scan3A_19, %mul3A_149 : i32
      %add3A_151 = arith.constant 3 : i32
      %add3A_152 = arith.addi %mul3A_150, %add3A_151 : i32
      %dma_wait3A_153 = arith.constant 0 : i32
      %dma_wait3A_154 = arith.constant 0 : i32
      %dma_wait3A_155 = arith.constant 64 : i32
      %dma_wait3A_156 = tpu.memref_slice %arg9[%add3A_152, %dma_wait3A_155] : memref<256x128xf32, #tpu.memory_space<vmem>> -> memref<1x64xf32, #tpu.memory_space<vmem>>
      %dma_wait3A_157 = tpu.memref_squeeze %dma_wait3A_156 : memref<1x64xf32, #tpu.memory_space<vmem>> -> memref<64xf32, #tpu.memory_space<vmem>>
      %dma_wait3A_158 = arith.constant 0 : i32
      %dma_wait3A_159 = tpu.memref_slice %arg5[%dma_wait3A_153, %dma_wait3A_154, %dma_wait3A_158] : memref<125000x8x64xf32, #tpu.memory_space<hbm>> -> memref<1x1x64xf32, #tpu.memory_space<hbm>>
      %dma_wait3A_160 = tpu.memref_squeeze %dma_wait3A_159 : memref<1x1x64xf32, #tpu.memory_space<hbm>> -> memref<64xf32, #tpu.memory_space<hbm>>
      %dma_wait3A_161 = arith.constant 64 : i32
      %dma_wait3A_162 = tpu.memref_slice %arg9[%add3A_152, %dma_wait3A_161] : memref<256x128xf32, #tpu.memory_space<vmem>> -> memref<1x64xf32, #tpu.memory_space<vmem>>
      %dma_wait3A_163 = tpu.memref_squeeze %dma_wait3A_162 : memref<1x64xf32, #tpu.memory_space<vmem>> -> memref<64xf32, #tpu.memory_space<vmem>>
      %dma_wait3A_164 = arith.constant 0 : i32
      %dma_wait3A_165 = tpu.memref_slice %arg5[%dma_wait3A_153, %dma_wait3A_154, %dma_wait3A_164] : memref<125000x8x64xf32, #tpu.memory_space<hbm>> -> memref<1x1x64xf32, #tpu.memory_space<hbm>>
      %dma_wait3A_166 = tpu.memref_squeeze %dma_wait3A_165 : memref<1x1x64xf32, #tpu.memory_space<hbm>> -> memref<64xf32, #tpu.memory_space<hbm>>
      tpu.wait_dma2 semaphore(%arg12 : memref<!tpu.dma_semaphore, #tpu.memory_space<semaphore_mem>>) src(%dma_wait3A_166 : memref<64xf32, #tpu.memory_space<hbm>>) dst(%dma_wait3A_163 : memref<64xf32, #tpu.memory_space<vmem>>)
      %mul3A_167 = arith.constant 8 : i32
      %mul3A_168 = arith.muli %scan3A_19, %mul3A_167 : i32
      %add3A_169 = arith.constant 4 : i32
      %add3A_170 = arith.addi %mul3A_168, %add3A_169 : i32
      %dma_wait3A_171 = arith.constant 0 : i32
      %dma_wait3A_172 = arith.constant 0 : i32
      %dma_wait3A_173 = arith.constant 0 : i32
      %dma_wait3A_174 = tpu.memref_slice %arg9[%add3A_170, %dma_wait3A_173] : memref<256x128xf32, #tpu.memory_space<vmem>> -> memref<1x64xf32, #tpu.memory_space<vmem>>
      %dma_wait3A_175 = tpu.memref_squeeze %dma_wait3A_174 : memref<1x64xf32, #tpu.memory_space<vmem>> -> memref<64xf32, #tpu.memory_space<vmem>>
      %dma_wait3A_176 = arith.constant 0 : i32
      %dma_wait3A_177 = tpu.memref_slice %arg5[%dma_wait3A_171, %dma_wait3A_172, %dma_wait3A_176] : memref<125000x8x64xf32, #tpu.memory_space<hbm>> -> memref<1x1x64xf32, #tpu.memory_space<hbm>>
      %dma_wait3A_178 = tpu.memref_squeeze %dma_wait3A_177 : memref<1x1x64xf32, #tpu.memory_space<hbm>> -> memref<64xf32, #tpu.memory_space<hbm>>
      %dma_wait3A_179 = arith.constant 0 : i32
      %dma_wait3A_180 = tpu.memref_slice %arg9[%add3A_170, %dma_wait3A_179] : memref<256x128xf32, #tpu.memory_space<vmem>> -> memref<1x64xf32, #tpu.memory_space<vmem>>
      %dma_wait3A_181 = tpu.memref_squeeze %dma_wait3A_180 : memref<1x64xf32, #tpu.memory_space<vmem>> -> memref<64xf32, #tpu.memory_space<vmem>>
      %dma_wait3A_182 = arith.constant 0 : i32
      %dma_wait3A_183 = tpu.memref_slice %arg5[%dma_wait3A_171, %dma_wait3A_172, %dma_wait3A_182] : memref<125000x8x64xf32, #tpu.memory_space<hbm>> -> memref<1x1x64xf32, #tpu.memory_space<hbm>>
      %dma_wait3A_184 = tpu.memref_squeeze %dma_wait3A_183 : memref<1x1x64xf32, #tpu.memory_space<hbm>> -> memref<64xf32, #tpu.memory_space<hbm>>
      tpu.wait_dma2 semaphore(%arg12 : memref<!tpu.dma_semaphore, #tpu.memory_space<semaphore_mem>>) src(%dma_wait3A_184 : memref<64xf32, #tpu.memory_space<hbm>>) dst(%dma_wait3A_181 : memref<64xf32, #tpu.memory_space<vmem>>)
      %mul3A_185 = arith.constant 8 : i32
      %mul3A_186 = arith.muli %scan3A_19, %mul3A_185 : i32
      %add3A_187 = arith.constant 4 : i32
      %add3A_188 = arith.addi %mul3A_186, %add3A_187 : i32
      %dma_wait3A_189 = arith.constant 0 : i32
      %dma_wait3A_190 = arith.constant 0 : i32
      %dma_wait3A_191 = arith.constant 64 : i32
      %dma_wait3A_192 = tpu.memref_slice %arg9[%add3A_188, %dma_wait3A_191] : memref<256x128xf32, #tpu.memory_space<vmem>> -> memref<1x64xf32, #tpu.memory_space<vmem>>
      %dma_wait3A_193 = tpu.memref_squeeze %dma_wait3A_192 : memref<1x64xf32, #tpu.memory_space<vmem>> -> memref<64xf32, #tpu.memory_space<vmem>>
      %dma_wait3A_194 = arith.constant 0 : i32
      %dma_wait3A_195 = tpu.memref_slice %arg5[%dma_wait3A_189, %dma_wait3A_190, %dma_wait3A_194] : memref<125000x8x64xf32, #tpu.memory_space<hbm>> -> memref<1x1x64xf32, #tpu.memory_space<hbm>>
      %dma_wait3A_196 = tpu.memref_squeeze %dma_wait3A_195 : memref<1x1x64xf32, #tpu.memory_space<hbm>> -> memref<64xf32, #tpu.memory_space<hbm>>
      %dma_wait3A_197 = arith.constant 64 : i32
      %dma_wait3A_198 = tpu.memref_slice %arg9[%add3A_188, %dma_wait3A_197] : memref<256x128xf32, #tpu.memory_space<vmem>> -> memref<1x64xf32, #tpu.memory_space<vmem>>
      %dma_wait3A_199 = tpu.memref_squeeze %dma_wait3A_198 : memref<1x64xf32, #tpu.memory_space<vmem>> -> memref<64xf32, #tpu.memory_space<vmem>>
      %dma_wait3A_200 = arith.constant 0 : i32
      %dma_wait3A_201 = tpu.memref_slice %arg5[%dma_wait3A_189, %dma_wait3A_190, %dma_wait3A_200] : memref<125000x8x64xf32, #tpu.memory_space<hbm>> -> memref<1x1x64xf32, #tpu.memory_space<hbm>>
      %dma_wait3A_202 = tpu.memref_squeeze %dma_wait3A_201 : memref<1x1x64xf32, #tpu.memory_space<hbm>> -> memref<64xf32, #tpu.memory_space<hbm>>
      tpu.wait_dma2 semaphore(%arg12 : memref<!tpu.dma_semaphore, #tpu.memory_space<semaphore_mem>>) src(%dma_wait3A_202 : memref<64xf32, #tpu.memory_space<hbm>>) dst(%dma_wait3A_199 : memref<64xf32, #tpu.memory_space<vmem>>)
      %mul3A_203 = arith.constant 8 : i32
      %mul3A_204 = arith.muli %scan3A_19, %mul3A_203 : i32
      %add3A_205 = arith.constant 5 : i32
      %add3A_206 = arith.addi %mul3A_204, %add3A_205 : i32
      %dma_wait3A_207 = arith.constant 0 : i32
      %dma_wait3A_208 = arith.constant 0 : i32
      %dma_wait3A_209 = arith.constant 0 : i32
      %dma_wait3A_210 = tpu.memref_slice %arg9[%add3A_206, %dma_wait3A_209] : memref<256x128xf32, #tpu.memory_space<vmem>> -> memref<1x64xf32, #tpu.memory_space<vmem>>
      %dma_wait3A_211 = tpu.memref_squeeze %dma_wait3A_210 : memref<1x64xf32, #tpu.memory_space<vmem>> -> memref<64xf32, #tpu.memory_space<vmem>>
      %dma_wait3A_212 = arith.constant 0 : i32
      %dma_wait3A_213 = tpu.memref_slice %arg5[%dma_wait3A_207, %dma_wait3A_208, %dma_wait3A_212] : memref<125000x8x64xf32, #tpu.memory_space<hbm>> -> memref<1x1x64xf32, #tpu.memory_space<hbm>>
      %dma_wait3A_214 = tpu.memref_squeeze %dma_wait3A_213 : memref<1x1x64xf32, #tpu.memory_space<hbm>> -> memref<64xf32, #tpu.memory_space<hbm>>
      %dma_wait3A_215 = arith.constant 0 : i32
      %dma_wait3A_216 = tpu.memref_slice %arg9[%add3A_206, %dma_wait3A_215] : memref<256x128xf32, #tpu.memory_space<vmem>> -> memref<1x64xf32, #tpu.memory_space<vmem>>
      %dma_wait3A_217 = tpu.memref_squeeze %dma_wait3A_216 : memref<1x64xf32, #tpu.memory_space<vmem>> -> memref<64xf32, #tpu.memory_space<vmem>>
      %dma_wait3A_218 = arith.constant 0 : i32
      %dma_wait3A_219 = tpu.memref_slice %arg5[%dma_wait3A_207, %dma_wait3A_208, %dma_wait3A_218] : memref<125000x8x64xf32, #tpu.memory_space<hbm>> -> memref<1x1x64xf32, #tpu.memory_space<hbm>>
      %dma_wait3A_220 = tpu.memref_squeeze %dma_wait3A_219 : memref<1x1x64xf32, #tpu.memory_space<hbm>> -> memref<64xf32, #tpu.memory_space<hbm>>
      tpu.wait_dma2 semaphore(%arg12 : memref<!tpu.dma_semaphore, #tpu.memory_space<semaphore_mem>>) src(%dma_wait3A_220 : memref<64xf32, #tpu.memory_space<hbm>>) dst(%dma_wait3A_217 : memref<64xf32, #tpu.memory_space<vmem>>)
      %mul3A_221 = arith.constant 8 : i32
      %mul3A_222 = arith.muli %scan3A_19, %mul3A_221 : i32
      %add3A_223 = arith.constant 5 : i32
      %add3A_224 = arith.addi %mul3A_222, %add3A_223 : i32
      %dma_wait3A_225 = arith.constant 0 : i32
      %dma_wait3A_226 = arith.constant 0 : i32
      %dma_wait3A_227 = arith.constant 64 : i32
      %dma_wait3A_228 = tpu.memref_slice %arg9[%add3A_224, %dma_wait3A_227] : memref<256x128xf32, #tpu.memory_space<vmem>> -> memref<1x64xf32, #tpu.memory_space<vmem>>
      %dma_wait3A_229 = tpu.memref_squeeze %dma_wait3A_228 : memref<1x64xf32, #tpu.memory_space<vmem>> -> memref<64xf32, #tpu.memory_space<vmem>>
      %dma_wait3A_230 = arith.constant 0 : i32
      %dma_wait3A_231 = tpu.memref_slice %arg5[%dma_wait3A_225, %dma_wait3A_226, %dma_wait3A_230] : memref<125000x8x64xf32, #tpu.memory_space<hbm>> -> memref<1x1x64xf32, #tpu.memory_space<hbm>>
      %dma_wait3A_232 = tpu.memref_squeeze %dma_wait3A_231 : memref<1x1x64xf32, #tpu.memory_space<hbm>> -> memref<64xf32, #tpu.memory_space<hbm>>
      %dma_wait3A_233 = arith.constant 64 : i32
      %dma_wait3A_234 = tpu.memref_slice %arg9[%add3A_224, %dma_wait3A_233] : memref<256x128xf32, #tpu.memory_space<vmem>> -> memref<1x64xf32, #tpu.memory_space<vmem>>
      %dma_wait3A_235 = tpu.memref_squeeze %dma_wait3A_234 : memref<1x64xf32, #tpu.memory_space<vmem>> -> memref<64xf32, #tpu.memory_space<vmem>>
      %dma_wait3A_236 = arith.constant 0 : i32
      %dma_wait3A_237 = tpu.memref_slice %arg5[%dma_wait3A_225, %dma_wait3A_226, %dma_wait3A_236] : memref<125000x8x64xf32, #tpu.memory_space<hbm>> -> memref<1x1x64xf32, #tpu.memory_space<hbm>>
      %dma_wait3A_238 = tpu.memref_squeeze %dma_wait3A_237 : memref<1x1x64xf32, #tpu.memory_space<hbm>> -> memref<64xf32, #tpu.memory_space<hbm>>
      tpu.wait_dma2 semaphore(%arg12 : memref<!tpu.dma_semaphore, #tpu.memory_space<semaphore_mem>>) src(%dma_wait3A_238 : memref<64xf32, #tpu.memory_space<hbm>>) dst(%dma_wait3A_235 : memref<64xf32, #tpu.memory_space<vmem>>)
      %mul3A_239 = arith.constant 8 : i32
      %mul3A_240 = arith.muli %scan3A_19, %mul3A_239 : i32
      %add3A_241 = arith.constant 6 : i32
      %add3A_242 = arith.addi %mul3A_240, %add3A_241 : i32
      %dma_wait3A_243 = arith.constant 0 : i32
      %dma_wait3A_244 = arith.constant 0 : i32
      %dma_wait3A_245 = arith.constant 0 : i32
      %dma_wait3A_246 = tpu.memref_slice %arg9[%add3A_242, %dma_wait3A_245] : memref<256x128xf32, #tpu.memory_space<vmem>> -> memref<1x64xf32, #tpu.memory_space<vmem>>
      %dma_wait3A_247 = tpu.memref_squeeze %dma_wait3A_246 : memref<1x64xf32, #tpu.memory_space<vmem>> -> memref<64xf32, #tpu.memory_space<vmem>>
      %dma_wait3A_248 = arith.constant 0 : i32
      %dma_wait3A_249 = tpu.memref_slice %arg5[%dma_wait3A_243, %dma_wait3A_244, %dma_wait3A_248] : memref<125000x8x64xf32, #tpu.memory_space<hbm>> -> memref<1x1x64xf32, #tpu.memory_space<hbm>>
      %dma_wait3A_250 = tpu.memref_squeeze %dma_wait3A_249 : memref<1x1x64xf32, #tpu.memory_space<hbm>> -> memref<64xf32, #tpu.memory_space<hbm>>
      %dma_wait3A_251 = arith.constant 0 : i32
      %dma_wait3A_252 = tpu.memref_slice %arg9[%add3A_242, %dma_wait3A_251] : memref<256x128xf32, #tpu.memory_space<vmem>> -> memref<1x64xf32, #tpu.memory_space<vmem>>
      %dma_wait3A_253 = tpu.memref_squeeze %dma_wait3A_252 : memref<1x64xf32, #tpu.memory_space<vmem>> -> memref<64xf32, #tpu.memory_space<vmem>>
      %dma_wait3A_254 = arith.constant 0 : i32
      %dma_wait3A_255 = tpu.memref_slice %arg5[%dma_wait3A_243, %dma_wait3A_244, %dma_wait3A_254] : memref<125000x8x64xf32, #tpu.memory_space<hbm>> -> memref<1x1x64xf32, #tpu.memory_space<hbm>>
      %dma_wait3A_256 = tpu.memref_squeeze %dma_wait3A_255 : memref<1x1x64xf32, #tpu.memory_space<hbm>> -> memref<64xf32, #tpu.memory_space<hbm>>
      tpu.wait_dma2 semaphore(%arg12 : memref<!tpu.dma_semaphore, #tpu.memory_space<semaphore_mem>>) src(%dma_wait3A_256 : memref<64xf32, #tpu.memory_space<hbm>>) dst(%dma_wait3A_253 : memref<64xf32, #tpu.memory_space<vmem>>)
      %mul3A_257 = arith.constant 8 : i32
      %mul3A_258 = arith.muli %scan3A_19, %mul3A_257 : i32
      %add3A_259 = arith.constant 6 : i32
      %add3A_260 = arith.addi %mul3A_258, %add3A_259 : i32
      %dma_wait3A_261 = arith.constant 0 : i32
      %dma_wait3A_262 = arith.constant 0 : i32
      %dma_wait3A_263 = arith.constant 64 : i32
      %dma_wait3A_264 = tpu.memref_slice %arg9[%add3A_260, %dma_wait3A_263] : memref<256x128xf32, #tpu.memory_space<vmem>> -> memref<1x64xf32, #tpu.memory_space<vmem>>
      %dma_wait3A_265 = tpu.memref_squeeze %dma_wait3A_264 : memref<1x64xf32, #tpu.memory_space<vmem>> -> memref<64xf32, #tpu.memory_space<vmem>>
      %dma_wait3A_266 = arith.constant 0 : i32
      %dma_wait3A_267 = tpu.memref_slice %arg5[%dma_wait3A_261, %dma_wait3A_262, %dma_wait3A_266] : memref<125000x8x64xf32, #tpu.memory_space<hbm>> -> memref<1x1x64xf32, #tpu.memory_space<hbm>>
      %dma_wait3A_268 = tpu.memref_squeeze %dma_wait3A_267 : memref<1x1x64xf32, #tpu.memory_space<hbm>> -> memref<64xf32, #tpu.memory_space<hbm>>
      %dma_wait3A_269 = arith.constant 64 : i32
      %dma_wait3A_270 = tpu.memref_slice %arg9[%add3A_260, %dma_wait3A_269] : memref<256x128xf32, #tpu.memory_space<vmem>> -> memref<1x64xf32, #tpu.memory_space<vmem>>
      %dma_wait3A_271 = tpu.memref_squeeze %dma_wait3A_270 : memref<1x64xf32, #tpu.memory_space<vmem>> -> memref<64xf32, #tpu.memory_space<vmem>>
      %dma_wait3A_272 = arith.constant 0 : i32
      %dma_wait3A_273 = tpu.memref_slice %arg5[%dma_wait3A_261, %dma_wait3A_262, %dma_wait3A_272] : memref<125000x8x64xf32, #tpu.memory_space<hbm>> -> memref<1x1x64xf32, #tpu.memory_space<hbm>>
      %dma_wait3A_274 = tpu.memref_squeeze %dma_wait3A_273 : memref<1x1x64xf32, #tpu.memory_space<hbm>> -> memref<64xf32, #tpu.memory_space<hbm>>
      tpu.wait_dma2 semaphore(%arg12 : memref<!tpu.dma_semaphore, #tpu.memory_space<semaphore_mem>>) src(%dma_wait3A_274 : memref<64xf32, #tpu.memory_space<hbm>>) dst(%dma_wait3A_271 : memref<64xf32, #tpu.memory_space<vmem>>)
      %mul3A_275 = arith.constant 8 : i32
      %mul3A_276 = arith.muli %scan3A_19, %mul3A_275 : i32
      %add3A_277 = arith.constant 7 : i32
      %add3A_278 = arith.addi %mul3A_276, %add3A_277 : i32
      %dma_wait3A_279 = arith.constant 0 : i32
      %dma_wait3A_280 = arith.constant 0 : i32
      %dma_wait3A_281 = arith.constant 0 : i32
      %dma_wait3A_282 = tpu.memref_slice %arg9[%add3A_278, %dma_wait3A_281] : memref<256x128xf32, #tpu.memory_space<vmem>> -> memref<1x64xf32, #tpu.memory_space<vmem>>
      %dma_wait3A_283 = tpu.memref_squeeze %dma_wait3A_282 : memref<1x64xf32, #tpu.memory_space<vmem>> -> memref<64xf32, #tpu.memory_space<vmem>>
      %dma_wait3A_284 = arith.constant 0 : i32
      %dma_wait3A_285 = tpu.memref_slice %arg5[%dma_wait3A_279, %dma_wait3A_280, %dma_wait3A_284] : memref<125000x8x64xf32, #tpu.memory_space<hbm>> -> memref<1x1x64xf32, #tpu.memory_space<hbm>>
      %dma_wait3A_286 = tpu.memref_squeeze %dma_wait3A_285 : memref<1x1x64xf32, #tpu.memory_space<hbm>> -> memref<64xf32, #tpu.memory_space<hbm>>
      %dma_wait3A_287 = arith.constant 0 : i32
      %dma_wait3A_288 = tpu.memref_slice %arg9[%add3A_278, %dma_wait3A_287] : memref<256x128xf32, #tpu.memory_space<vmem>> -> memref<1x64xf32, #tpu.memory_space<vmem>>
      %dma_wait3A_289 = tpu.memref_squeeze %dma_wait3A_288 : memref<1x64xf32, #tpu.memory_space<vmem>> -> memref<64xf32, #tpu.memory_space<vmem>>
      %dma_wait3A_290 = arith.constant 0 : i32
      %dma_wait3A_291 = tpu.memref_slice %arg5[%dma_wait3A_279, %dma_wait3A_280, %dma_wait3A_290] : memref<125000x8x64xf32, #tpu.memory_space<hbm>> -> memref<1x1x64xf32, #tpu.memory_space<hbm>>
      %dma_wait3A_292 = tpu.memref_squeeze %dma_wait3A_291 : memref<1x1x64xf32, #tpu.memory_space<hbm>> -> memref<64xf32, #tpu.memory_space<hbm>>
      tpu.wait_dma2 semaphore(%arg12 : memref<!tpu.dma_semaphore, #tpu.memory_space<semaphore_mem>>) src(%dma_wait3A_292 : memref<64xf32, #tpu.memory_space<hbm>>) dst(%dma_wait3A_289 : memref<64xf32, #tpu.memory_space<vmem>>)
      %mul3A_293 = arith.constant 8 : i32
      %mul3A_294 = arith.muli %scan3A_19, %mul3A_293 : i32
      %add3A_295 = arith.constant 7 : i32
      %add3A_296 = arith.addi %mul3A_294, %add3A_295 : i32
      %dma_wait3A_297 = arith.constant 0 : i32
      %dma_wait3A_298 = arith.constant 0 : i32
      %dma_wait3A_299 = arith.constant 64 : i32
      %dma_wait3A_300 = tpu.memref_slice %arg9[%add3A_296, %dma_wait3A_299] : memref<256x128xf32, #tpu.memory_space<vmem>> -> memref<1x64xf32, #tpu.memory_space<vmem>>
      %dma_wait3A_301 = tpu.memref_squeeze %dma_wait3A_300 : memref<1x64xf32, #tpu.memory_space<vmem>> -> memref<64xf32, #tpu.memory_space<vmem>>
      %dma_wait3A_302 = arith.constant 0 : i32
      %dma_wait3A_303 = tpu.memref_slice %arg5[%dma_wait3A_297, %dma_wait3A_298, %dma_wait3A_302] : memref<125000x8x64xf32, #tpu.memory_space<hbm>> -> memref<1x1x64xf32, #tpu.memory_space<hbm>>
      %dma_wait3A_304 = tpu.memref_squeeze %dma_wait3A_303 : memref<1x1x64xf32, #tpu.memory_space<hbm>> -> memref<64xf32, #tpu.memory_space<hbm>>
      %dma_wait3A_305 = arith.constant 64 : i32
      %dma_wait3A_306 = tpu.memref_slice %arg9[%add3A_296, %dma_wait3A_305] : memref<256x128xf32, #tpu.memory_space<vmem>> -> memref<1x64xf32, #tpu.memory_space<vmem>>
      %dma_wait3A_307 = tpu.memref_squeeze %dma_wait3A_306 : memref<1x64xf32, #tpu.memory_space<vmem>> -> memref<64xf32, #tpu.memory_space<vmem>>
      %dma_wait3A_308 = arith.constant 0 : i32
      %dma_wait3A_309 = tpu.memref_slice %arg5[%dma_wait3A_297, %dma_wait3A_298, %dma_wait3A_308] : memref<125000x8x64xf32, #tpu.memory_space<hbm>> -> memref<1x1x64xf32, #tpu.memory_space<hbm>>
      %dma_wait3A_310 = tpu.memref_squeeze %dma_wait3A_309 : memref<1x1x64xf32, #tpu.memory_space<hbm>> -> memref<64xf32, #tpu.memory_space<hbm>>
      tpu.wait_dma2 semaphore(%arg12 : memref<!tpu.dma_semaphore, #tpu.memory_space<semaphore_mem>>) src(%dma_wait3A_310 : memref<64xf32, #tpu.memory_space<hbm>>) dst(%dma_wait3A_307 : memref<64xf32, #tpu.memory_space<vmem>>)
      %mul3A_311 = arith.constant 8 : i32
      %mul3A_312 = arith.muli %scan3A_19, %mul3A_311 : i32
      %add3A_313 = arith.constant 0 : i32
      %add3A_314 = arith.addi %mul3A_312, %add3A_313 : i32
      %mul3A_315 = arith.constant 2 : i32
      %mul3A_316 = arith.muli %scan3A_19, %mul3A_315 : i32
      %add3A_317 = arith.constant 0 : i32
      %add3A_318 = arith.addi %mul3A_316, %add3A_317 : i32
      %get3A = arith.constant 0 : i32
      %get3A_319 = arith.index_cast %add3A_318 : i32 to index
      %get3A_320 = arith.index_cast %get3A : i32 to index
      %get3A_321 = arith.constant 0 : index
      %get3A_322 = tpu.vector_load %arg10[%get3A_319, %get3A_320, %get3A_321] {strides = array<i32>} : memref<64x8x64xf32, #tpu.memory_space<vmem>>, vector<1x1x16xf32>,
      %get3A_323 = vector.shape_cast %get3A_322 : vector<1x1x16xf32> to vector<16xf32>
      %get3A_324 = arith.index_cast %add3A_314 : i32 to index
      %get3A_325 = arith.constant 0 : index
      %get3A_326 = tpu.vector_load %arg9[%get3A_324, %get3A_325] {strides = array<i32>} : memref<256x128xf32, #tpu.memory_space<vmem>>, vector<1x16xf32>,
      %get3A_327 = vector.shape_cast %get3A_326 : vector<1x16xf32> to vector<16xf32>
      %sub3A = arith.subf %get3A_323, %get3A_327 : vector<16xf32>
      %mul3A_328 = arith.mulf %sub3A, %sub3A : vector<16xf32>
      %add3A_329 = arith.addf %scan3A_20, %mul3A_328 : vector<16xf32>
      %get3A_330 = arith.constant 0 : i32
      %get3A_331 = arith.index_cast %add3A_318 : i32 to index
      %get3A_332 = arith.index_cast %get3A_330 : i32 to index
      %get3A_333 = arith.constant 16 : index
      %get3A_334 = tpu.vector_load %arg10[%get3A_331, %get3A_332, %get3A_333] {strides = array<i32>} : memref<64x8x64xf32, #tpu.memory_space<vmem>>, vector<1x1x16xf32>,
      %get3A_335 = vector.shape_cast %get3A_334 : vector<1x1x16xf32> to vector<16xf32>
      %get3A_336 = arith.index_cast %add3A_314 : i32 to index
      %get3A_337 = arith.constant 16 : index
      %get3A_338 = tpu.vector_load %arg9[%get3A_336, %get3A_337] {strides = array<i32>} : memref<256x128xf32, #tpu.memory_space<vmem>>, vector<1x16xf32>,
      %get3A_339 = vector.shape_cast %get3A_338 : vector<1x16xf32> to vector<16xf32>
      %sub3A_340 = arith.subf %get3A_335, %get3A_339 : vector<16xf32>
      %mul3A_341 = arith.mulf %sub3A_340, %sub3A_340 : vector<16xf32>
      %add3A_342 = arith.addf %scan3A_21, %mul3A_341 : vector<16xf32>
      %get3A_343 = arith.constant 0 : i32
      %get3A_344 = arith.index_cast %add3A_318 : i32 to index
      %get3A_345 = arith.index_cast %get3A_343 : i32 to index
      %get3A_346 = arith.constant 32 : index
      %get3A_347 = tpu.vector_load %arg10[%get3A_344, %get3A_345, %get3A_346] {strides = array<i32>} : memref<64x8x64xf32, #tpu.memory_space<vmem>>, vector<1x1x16xf32>,
      %get3A_348 = vector.shape_cast %get3A_347 : vector<1x1x16xf32> to vector<16xf32>
      %get3A_349 = arith.index_cast %add3A_314 : i32 to index
      %get3A_350 = arith.constant 32 : index
      %get3A_351 = tpu.vector_load %arg9[%get3A_349, %get3A_350] {strides = array<i32>} : memref<256x128xf32, #tpu.memory_space<vmem>>, vector<1x16xf32>,
      %get3A_352 = vector.shape_cast %get3A_351 : vector<1x16xf32> to vector<16xf32>
      %sub3A_353 = arith.subf %get3A_348, %get3A_352 : vector<16xf32>
      %mul3A_354 = arith.mulf %sub3A_353, %sub3A_353 : vector<16xf32>
      %add3A_355 = arith.addf %scan3A_22, %mul3A_354 : vector<16xf32>
      %get3A_356 = arith.constant 0 : i32
      %get3A_357 = arith.index_cast %add3A_318 : i32 to index
      %get3A_358 = arith.index_cast %get3A_356 : i32 to index
      %get3A_359 = arith.constant 48 : index
      %get3A_360 = tpu.vector_load %arg10[%get3A_357, %get3A_358, %get3A_359] {strides = array<i32>} : memref<64x8x64xf32, #tpu.memory_space<vmem>>, vector<1x1x16xf32>,
      %get3A_361 = vector.shape_cast %get3A_360 : vector<1x1x16xf32> to vector<16xf32>
      %get3A_362 = arith.index_cast %add3A_314 : i32 to index
      %get3A_363 = arith.constant 48 : index
      %get3A_364 = tpu.vector_load %arg9[%get3A_362, %get3A_363] {strides = array<i32>} : memref<256x128xf32, #tpu.memory_space<vmem>>, vector<1x16xf32>,
      %get3A_365 = vector.shape_cast %get3A_364 : vector<1x16xf32> to vector<16xf32>
      %sub3A_366 = arith.subf %get3A_361, %get3A_365 : vector<16xf32>
      %mul3A_367 = arith.mulf %sub3A_366, %sub3A_366 : vector<16xf32>
      %add3A_368 = arith.addf %scan3A_23, %mul3A_367 : vector<16xf32>
      %mul3A_369 = arith.constant 8 : i32
      %mul3A_370 = arith.muli %scan3A_19, %mul3A_369 : i32
      %add3A_371 = arith.constant 0 : i32
      %add3A_372 = arith.addi %mul3A_370, %add3A_371 : i32
      %mul3A_373 = arith.constant 2 : i32
      %mul3A_374 = arith.muli %scan3A_19, %mul3A_373 : i32
      %add3A_375 = arith.constant 0 : i32
      %add3A_376 = arith.addi %mul3A_374, %add3A_375 : i32
      %get3A_377 = arith.constant 1 : i32
      %get3A_378 = arith.index_cast %add3A_376 : i32 to index
      %get3A_379 = arith.index_cast %get3A_377 : i32 to index
      %get3A_380 = arith.constant 0 : index
      %get3A_381 = tpu.vector_load %arg10[%get3A_378, %get3A_379, %get3A_380] {strides = array<i32>} : memref<64x8x64xf32, #tpu.memory_space<vmem>>, vector<1x1x16xf32>,
      %get3A_382 = vector.shape_cast %get3A_381 : vector<1x1x16xf32> to vector<16xf32>
      %get3A_383 = arith.index_cast %add3A_372 : i32 to index
      %get3A_384 = arith.constant 64 : index
      %get3A_385 = tpu.vector_load %arg9[%get3A_383, %get3A_384] {strides = array<i32>} : memref<256x128xf32, #tpu.memory_space<vmem>>, vector<1x16xf32>,
      %get3A_386 = vector.shape_cast %get3A_385 : vector<1x16xf32> to vector<16xf32>
      %sub3A_387 = arith.subf %get3A_382, %get3A_386 : vector<16xf32>
      %mul3A_388 = arith.mulf %sub3A_387, %sub3A_387 : vector<16xf32>
      %add3A_389 = arith.addf %add3A_329, %mul3A_388 : vector<16xf32>
      %get3A_390 = arith.constant 1 : i32
      %get3A_391 = arith.index_cast %add3A_376 : i32 to index
      %get3A_392 = arith.index_cast %get3A_390 : i32 to index
      %get3A_393 = arith.constant 16 : index
      %get3A_394 = tpu.vector_load %arg10[%get3A_391, %get3A_392, %get3A_393] {strides = array<i32>} : memref<64x8x64xf32, #tpu.memory_space<vmem>>, vector<1x1x16xf32>,
      %get3A_395 = vector.shape_cast %get3A_394 : vector<1x1x16xf32> to vector<16xf32>
      %get3A_396 = arith.index_cast %add3A_372 : i32 to index
      %get3A_397 = arith.constant 80 : index
      %get3A_398 = tpu.vector_load %arg9[%get3A_396, %get3A_397] {strides = array<i32>} : memref<256x128xf32, #tpu.memory_space<vmem>>, vector<1x16xf32>,
      %get3A_399 = vector.shape_cast %get3A_398 : vector<1x16xf32> to vector<16xf32>
      %sub3A_400 = arith.subf %get3A_395, %get3A_399 : vector<16xf32>
      %mul3A_401 = arith.mulf %sub3A_400, %sub3A_400 : vector<16xf32>
      %add3A_402 = arith.addf %add3A_342, %mul3A_401 : vector<16xf32>
      %get3A_403 = arith.constant 1 : i32
      %get3A_404 = arith.index_cast %add3A_376 : i32 to index
      %get3A_405 = arith.index_cast %get3A_403 : i32 to index
      %get3A_406 = arith.constant 32 : index
      %get3A_407 = tpu.vector_load %arg10[%get3A_404, %get3A_405, %get3A_406] {strides = array<i32>} : memref<64x8x64xf32, #tpu.memory_space<vmem>>, vector<1x1x16xf32>,
      %get3A_408 = vector.shape_cast %get3A_407 : vector<1x1x16xf32> to vector<16xf32>
      %get3A_409 = arith.index_cast %add3A_372 : i32 to index
      %get3A_410 = arith.constant 96 : index
      %get3A_411 = tpu.vector_load %arg9[%get3A_409, %get3A_410] {strides = array<i32>} : memref<256x128xf32, #tpu.memory_space<vmem>>, vector<1x16xf32>,
      %get3A_412 = vector.shape_cast %get3A_411 : vector<1x16xf32> to vector<16xf32>
      %sub3A_413 = arith.subf %get3A_408, %get3A_412 : vector<16xf32>
      %mul3A_414 = arith.mulf %sub3A_413, %sub3A_413 : vector<16xf32>
      %add3A_415 = arith.addf %add3A_355, %mul3A_414 : vector<16xf32>
      %get3A_416 = arith.constant 1 : i32
      %get3A_417 = arith.index_cast %add3A_376 : i32 to index
      %get3A_418 = arith.index_cast %get3A_416 : i32 to index
      %get3A_419 = arith.constant 48 : index
      %get3A_420 = tpu.vector_load %arg10[%get3A_417, %get3A_418, %get3A_419] {strides = array<i32>} : memref<64x8x64xf32, #tpu.memory_space<vmem>>, vector<1x1x16xf32>,
      %get3A_421 = vector.shape_cast %get3A_420 : vector<1x1x16xf32> to vector<16xf32>
      %get3A_422 = arith.index_cast %add3A_372 : i32 to index
      %get3A_423 = arith.constant 112 : index
      %get3A_424 = tpu.vector_load %arg9[%get3A_422, %get3A_423] {strides = array<i32>} : memref<256x128xf32, #tpu.memory_space<vmem>>, vector<1x16xf32>,
      %get3A_425 = vector.shape_cast %get3A_424 : vector<1x16xf32> to vector<16xf32>
      %sub3A_426 = arith.subf %get3A_421, %get3A_425 : vector<16xf32>
      %mul3A_427 = arith.mulf %sub3A_426, %sub3A_426 : vector<16xf32>
      %add3A_428 = arith.addf %add3A_368, %mul3A_427 : vector<16xf32>
      %mul3A_429 = arith.constant 8 : i32
      %mul3A_430 = arith.muli %scan3A_19, %mul3A_429 : i32
      %add3A_431 = arith.constant 1 : i32
      %add3A_432 = arith.addi %mul3A_430, %add3A_431 : i32
      %mul3A_433 = arith.constant 2 : i32
      %mul3A_434 = arith.muli %scan3A_19, %mul3A_433 : i32
      %add3A_435 = arith.constant 0 : i32
      %add3A_436 = arith.addi %mul3A_434, %add3A_435 : i32
      %get3A_437 = arith.constant 2 : i32
      %get3A_438 = arith.index_cast %add3A_436 : i32 to index
      %get3A_439 = arith.index_cast %get3A_437 : i32 to index
      %get3A_440 = arith.constant 0 : index
      %get3A_441 = tpu.vector_load %arg10[%get3A_438, %get3A_439, %get3A_440] {strides = array<i32>} : memref<64x8x64xf32, #tpu.memory_space<vmem>>, vector<1x1x16xf32>,
      %get3A_442 = vector.shape_cast %get3A_441 : vector<1x1x16xf32> to vector<16xf32>
      %get3A_443 = arith.index_cast %add3A_432 : i32 to index
      %get3A_444 = arith.constant 0 : index
      %get3A_445 = tpu.vector_load %arg9[%get3A_443, %get3A_444] {strides = array<i32>} : memref<256x128xf32, #tpu.memory_space<vmem>>, vector<1x16xf32>,
      %get3A_446 = vector.shape_cast %get3A_445 : vector<1x16xf32> to vector<16xf32>
      %sub3A_447 = arith.subf %get3A_442, %get3A_446 : vector<16xf32>
      %mul3A_448 = arith.mulf %sub3A_447, %sub3A_447 : vector<16xf32>
      %add3A_449 = arith.addf %add3A_389, %mul3A_448 : vector<16xf32>
      %get3A_450 = arith.constant 2 : i32
      %get3A_451 = arith.index_cast %add3A_436 : i32 to index
      %get3A_452 = arith.index_cast %get3A_450 : i32 to index
      %get3A_453 = arith.constant 16 : index
      %get3A_454 = tpu.vector_load %arg10[%get3A_451, %get3A_452, %get3A_453] {strides = array<i32>} : memref<64x8x64xf32, #tpu.memory_space<vmem>>, vector<1x1x16xf32>,
      %get3A_455 = vector.shape_cast %get3A_454 : vector<1x1x16xf32> to vector<16xf32>
      %get3A_456 = arith.index_cast %add3A_432 : i32 to index
      %get3A_457 = arith.constant 16 : index
      %get3A_458 = tpu.vector_load %arg9[%get3A_456, %get3A_457] {strides = array<i32>} : memref<256x128xf32, #tpu.memory_space<vmem>>, vector<1x16xf32>,
      %get3A_459 = vector.shape_cast %get3A_458 : vector<1x16xf32> to vector<16xf32>
      %sub3A_460 = arith.subf %get3A_455, %get3A_459 : vector<16xf32>
      %mul3A_461 = arith.mulf %sub3A_460, %sub3A_460 : vector<16xf32>
      %add3A_462 = arith.addf %add3A_402, %mul3A_461 : vector<16xf32>
      %get3A_463 = arith.constant 2 : i32
      %get3A_464 = arith.index_cast %add3A_436 : i32 to index
      %get3A_465 = arith.index_cast %get3A_463 : i32 to index
      %get3A_466 = arith.constant 32 : index
      %get3A_467 = tpu.vector_load %arg10[%get3A_464, %get3A_465, %get3A_466] {strides = array<i32>} : memref<64x8x64xf32, #tpu.memory_space<vmem>>, vector<1x1x16xf32>,
      %get3A_468 = vector.shape_cast %get3A_467 : vector<1x1x16xf32> to vector<16xf32>
      %get3A_469 = arith.index_cast %add3A_432 : i32 to index
      %get3A_470 = arith.constant 32 : index
      %get3A_471 = tpu.vector_load %arg9[%get3A_469, %get3A_470] {strides = array<i32>} : memref<256x128xf32, #tpu.memory_space<vmem>>, vector<1x16xf32>,
      %get3A_472 = vector.shape_cast %get3A_471 : vector<1x16xf32> to vector<16xf32>
      %sub3A_473 = arith.subf %get3A_468, %get3A_472 : vector<16xf32>
      %mul3A_474 = arith.mulf %sub3A_473, %sub3A_473 : vector<16xf32>
      %add3A_475 = arith.addf %add3A_415, %mul3A_474 : vector<16xf32>
      %get3A_476 = arith.constant 2 : i32
      %get3A_477 = arith.index_cast %add3A_436 : i32 to index
      %get3A_478 = arith.index_cast %get3A_476 : i32 to index
      %get3A_479 = arith.constant 48 : index
      %get3A_480 = tpu.vector_load %arg10[%get3A_477, %get3A_478, %get3A_479] {strides = array<i32>} : memref<64x8x64xf32, #tpu.memory_space<vmem>>, vector<1x1x16xf32>,
      %get3A_481 = vector.shape_cast %get3A_480 : vector<1x1x16xf32> to vector<16xf32>
      %get3A_482 = arith.index_cast %add3A_432 : i32 to index
      %get3A_483 = arith.constant 48 : index
      %get3A_484 = tpu.vector_load %arg9[%get3A_482, %get3A_483] {strides = array<i32>} : memref<256x128xf32, #tpu.memory_space<vmem>>, vector<1x16xf32>,
      %get3A_485 = vector.shape_cast %get3A_484 : vector<1x16xf32> to vector<16xf32>
      %sub3A_486 = arith.subf %get3A_481, %get3A_485 : vector<16xf32>
      %mul3A_487 = arith.mulf %sub3A_486, %sub3A_486 : vector<16xf32>
      %add3A_488 = arith.addf %add3A_428, %mul3A_487 : vector<16xf32>
      %mul3A_489 = arith.constant 8 : i32
      %mul3A_490 = arith.muli %scan3A_19, %mul3A_489 : i32
      %add3A_491 = arith.constant 1 : i32
      %add3A_492 = arith.addi %mul3A_490, %add3A_491 : i32
      %mul3A_493 = arith.constant 2 : i32
      %mul3A_494 = arith.muli %scan3A_19, %mul3A_493 : i32
      %add3A_495 = arith.constant 0 : i32
      %add3A_496 = arith.addi %mul3A_494, %add3A_495 : i32
      %get3A_497 = arith.constant 3 : i32
      %get3A_498 = arith.index_cast %add3A_496 : i32 to index
      %get3A_499 = arith.index_cast %get3A_497 : i32 to index
      %get3A_500 = arith.constant 0 : index
      %get3A_501 = tpu.vector_load %arg10[%get3A_498, %get3A_499, %get3A_500] {strides = array<i32>} : memref<64x8x64xf32, #tpu.memory_space<vmem>>, vector<1x1x16xf32>,
      %get3A_502 = vector.shape_cast %get3A_501 : vector<1x1x16xf32> to vector<16xf32>
      %get3A_503 = arith.index_cast %add3A_492 : i32 to index
      %get3A_504 = arith.constant 64 : index
      %get3A_505 = tpu.vector_load %arg9[%get3A_503, %get3A_504] {strides = array<i32>} : memref<256x128xf32, #tpu.memory_space<vmem>>, vector<1x16xf32>,
      %get3A_506 = vector.shape_cast %get3A_505 : vector<1x16xf32> to vector<16xf32>
      %sub3A_507 = arith.subf %get3A_502, %get3A_506 : vector<16xf32>
      %mul3A_508 = arith.mulf %sub3A_507, %sub3A_507 : vector<16xf32>
      %add3A_509 = arith.addf %add3A_449, %mul3A_508 : vector<16xf32>
      %get3A_510 = arith.constant 3 : i32
      %get3A_511 = arith.index_cast %add3A_496 : i32 to index
      %get3A_512 = arith.index_cast %get3A_510 : i32 to index
      %get3A_513 = arith.constant 16 : index
      %get3A_514 = tpu.vector_load %arg10[%get3A_511, %get3A_512, %get3A_513] {strides = array<i32>} : memref<64x8x64xf32, #tpu.memory_space<vmem>>, vector<1x1x16xf32>,
      %get3A_515 = vector.shape_cast %get3A_514 : vector<1x1x16xf32> to vector<16xf32>
      %get3A_516 = arith.index_cast %add3A_492 : i32 to index
      %get3A_517 = arith.constant 80 : index
      %get3A_518 = tpu.vector_load %arg9[%get3A_516, %get3A_517] {strides = array<i32>} : memref<256x128xf32, #tpu.memory_space<vmem>>, vector<1x16xf32>,
      %get3A_519 = vector.shape_cast %get3A_518 : vector<1x16xf32> to vector<16xf32>
      %sub3A_520 = arith.subf %get3A_515, %get3A_519 : vector<16xf32>
      %mul3A_521 = arith.mulf %sub3A_520, %sub3A_520 : vector<16xf32>
      %add3A_522 = arith.addf %add3A_462, %mul3A_521 : vector<16xf32>
      %get3A_523 = arith.constant 3 : i32
      %get3A_524 = arith.index_cast %add3A_496 : i32 to index
      %get3A_525 = arith.index_cast %get3A_523 : i32 to index
      %get3A_526 = arith.constant 32 : index
      %get3A_527 = tpu.vector_load %arg10[%get3A_524, %get3A_525, %get3A_526] {strides = array<i32>} : memref<64x8x64xf32, #tpu.memory_space<vmem>>, vector<1x1x16xf32>,
      %get3A_528 = vector.shape_cast %get3A_527 : vector<1x1x16xf32> to vector<16xf32>
      %get3A_529 = arith.index_cast %add3A_492 : i32 to index
      %get3A_530 = arith.constant 96 : index
      %get3A_531 = tpu.vector_load %arg9[%get3A_529, %get3A_530] {strides = array<i32>} : memref<256x128xf32, #tpu.memory_space<vmem>>, vector<1x16xf32>,
      %get3A_532 = vector.shape_cast %get3A_531 : vector<1x16xf32> to vector<16xf32>
      %sub3A_533 = arith.subf %get3A_528, %get3A_532 : vector<16xf32>
      %mul3A_534 = arith.mulf %sub3A_533, %sub3A_533 : vector<16xf32>
      %add3A_535 = arith.addf %add3A_475, %mul3A_534 : vector<16xf32>
      %get3A_536 = arith.constant 3 : i32
      %get3A_537 = arith.index_cast %add3A_496 : i32 to index
      %get3A_538 = arith.index_cast %get3A_536 : i32 to index
      %get3A_539 = arith.constant 48 : index
      %get3A_540 = tpu.vector_load %arg10[%get3A_537, %get3A_538, %get3A_539] {strides = array<i32>} : memref<64x8x64xf32, #tpu.memory_space<vmem>>, vector<1x1x16xf32>,
      %get3A_541 = vector.shape_cast %get3A_540 : vector<1x1x16xf32> to vector<16xf32>
      %get3A_542 = arith.index_cast %add3A_492 : i32 to index
      %get3A_543 = arith.constant 112 : index
      %get3A_544 = tpu.vector_load %arg9[%get3A_542, %get3A_543] {strides = array<i32>} : memref<256x128xf32, #tpu.memory_space<vmem>>, vector<1x16xf32>,
      %get3A_545 = vector.shape_cast %get3A_544 : vector<1x16xf32> to vector<16xf32>
      %sub3A_546 = arith.subf %get3A_541, %get3A_545 : vector<16xf32>
      %mul3A_547 = arith.mulf %sub3A_546, %sub3A_546 : vector<16xf32>
      %add3A_548 = arith.addf %add3A_488, %mul3A_547 : vector<16xf32>
      %mul3A_549 = arith.constant 8 : i32
      %mul3A_550 = arith.muli %scan3A_19, %mul3A_549 : i32
      %add3A_551 = arith.constant 2 : i32
      %add3A_552 = arith.addi %mul3A_550, %add3A_551 : i32
      %mul3A_553 = arith.constant 2 : i32
      %mul3A_554 = arith.muli %scan3A_19, %mul3A_553 : i32
      %add3A_555 = arith.constant 0 : i32
      %add3A_556 = arith.addi %mul3A_554, %add3A_555 : i32
      %get3A_557 = arith.constant 4 : i32
      %get3A_558 = arith.index_cast %add3A_556 : i32 to index
      %get3A_559 = arith.index_cast %get3A_557 : i32 to index
      %get3A_560 = arith.constant 0 : index
      %get3A_561 = tpu.vector_load %arg10[%get3A_558, %get3A_559, %get3A_560] {strides = array<i32>} : memref<64x8x64xf32, #tpu.memory_space<vmem>>, vector<1x1x16xf32>,
      %get3A_562 = vector.shape_cast %get3A_561 : vector<1x1x16xf32> to vector<16xf32>
      %get3A_563 = arith.index_cast %add3A_552 : i32 to index
      %get3A_564 = arith.constant 0 : index
      %get3A_565 = tpu.vector_load %arg9[%get3A_563, %get3A_564] {strides = array<i32>} : memref<256x128xf32, #tpu.memory_space<vmem>>, vector<1x16xf32>,
      %get3A_566 = vector.shape_cast %get3A_565 : vector<1x16xf32> to vector<16xf32>
      %sub3A_567 = arith.subf %get3A_562, %get3A_566 : vector<16xf32>
      %mul3A_568 = arith.mulf %sub3A_567, %sub3A_567 : vector<16xf32>
      %add3A_569 = arith.addf %add3A_509, %mul3A_568 : vector<16xf32>
      %get3A_570 = arith.constant 4 : i32
      %get3A_571 = arith.index_cast %add3A_556 : i32 to index
      %get3A_572 = arith.index_cast %get3A_570 : i32 to index
      %get3A_573 = arith.constant 16 : index
      %get3A_574 = tpu.vector_load %arg10[%get3A_571, %get3A_572, %get3A_573] {strides = array<i32>} : memref<64x8x64xf32, #tpu.memory_space<vmem>>, vector<1x1x16xf32>,
      %get3A_575 = vector.shape_cast %get3A_574 : vector<1x1x16xf32> to vector<16xf32>
      %get3A_576 = arith.index_cast %add3A_552 : i32 to index
      %get3A_577 = arith.constant 16 : index
      %get3A_578 = tpu.vector_load %arg9[%get3A_576, %get3A_577] {strides = array<i32>} : memref<256x128xf32, #tpu.memory_space<vmem>>, vector<1x16xf32>,
      %get3A_579 = vector.shape_cast %get3A_578 : vector<1x16xf32> to vector<16xf32>
      %sub3A_580 = arith.subf %get3A_575, %get3A_579 : vector<16xf32>
      %mul3A_581 = arith.mulf %sub3A_580, %sub3A_580 : vector<16xf32>
      %add3A_582 = arith.addf %add3A_522, %mul3A_581 : vector<16xf32>
      %get3A_583 = arith.constant 4 : i32
      %get3A_584 = arith.index_cast %add3A_556 : i32 to index
      %get3A_585 = arith.index_cast %get3A_583 : i32 to index
      %get3A_586 = arith.constant 32 : index
      %get3A_587 = tpu.vector_load %arg10[%get3A_584, %get3A_585, %get3A_586] {strides = array<i32>} : memref<64x8x64xf32, #tpu.memory_space<vmem>>, vector<1x1x16xf32>,
      %get3A_588 = vector.shape_cast %get3A_587 : vector<1x1x16xf32> to vector<16xf32>
      %get3A_589 = arith.index_cast %add3A_552 : i32 to index
      %get3A_590 = arith.constant 32 : index
      %get3A_591 = tpu.vector_load %arg9[%get3A_589, %get3A_590] {strides = array<i32>} : memref<256x128xf32, #tpu.memory_space<vmem>>, vector<1x16xf32>,
      %get3A_592 = vector.shape_cast %get3A_591 : vector<1x16xf32> to vector<16xf32>
      %sub3A_593 = arith.subf %get3A_588, %get3A_592 : vector<16xf32>
      %mul3A_594 = arith.mulf %sub3A_593, %sub3A_593 : vector<16xf32>
      %add3A_595 = arith.addf %add3A_535, %mul3A_594 : vector<16xf32>
      %get3A_596 = arith.constant 4 : i32
      %get3A_597 = arith.index_cast %add3A_556 : i32 to index
      %get3A_598 = arith.index_cast %get3A_596 : i32 to index
      %get3A_599 = arith.constant 48 : index
      %get3A_600 = tpu.vector_load %arg10[%get3A_597, %get3A_598, %get3A_599] {strides = array<i32>} : memref<64x8x64xf32, #tpu.memory_space<vmem>>, vector<1x1x16xf32>,
      %get3A_601 = vector.shape_cast %get3A_600 : vector<1x1x16xf32> to vector<16xf32>
      %get3A_602 = arith.index_cast %add3A_552 : i32 to index
      %get3A_603 = arith.constant 48 : index
      %get3A_604 = tpu.vector_load %arg9[%get3A_602, %get3A_603] {strides = array<i32>} : memref<256x128xf32, #tpu.memory_space<vmem>>, vector<1x16xf32>,
      %get3A_605 = vector.shape_cast %get3A_604 : vector<1x16xf32> to vector<16xf32>
      %sub3A_606 = arith.subf %get3A_601, %get3A_605 : vector<16xf32>
      %mul3A_607 = arith.mulf %sub3A_606, %sub3A_606 : vector<16xf32>
      %add3A_608 = arith.addf %add3A_548, %mul3A_607 : vector<16xf32>
      %mul3A_609 = arith.constant 8 : i32
      %mul3A_610 = arith.muli %scan3A_19, %mul3A_609 : i32
      %add3A_611 = arith.constant 2 : i32
      %add3A_612 = arith.addi %mul3A_610, %add3A_611 : i32
      %mul3A_613 = arith.constant 2 : i32
      %mul3A_614 = arith.muli %scan3A_19, %mul3A_613 : i32
      %add3A_615 = arith.constant 0 : i32
      %add3A_616 = arith.addi %mul3A_614, %add3A_615 : i32
      %get3A_617 = arith.constant 5 : i32
      %get3A_618 = arith.index_cast %add3A_616 : i32 to index
      %get3A_619 = arith.index_cast %get3A_617 : i32 to index
      %get3A_620 = arith.constant 0 : index
      %get3A_621 = tpu.vector_load %arg10[%get3A_618, %get3A_619, %get3A_620] {strides = array<i32>} : memref<64x8x64xf32, #tpu.memory_space<vmem>>, vector<1x1x16xf32>,
      %get3A_622 = vector.shape_cast %get3A_621 : vector<1x1x16xf32> to vector<16xf32>
      %get3A_623 = arith.index_cast %add3A_612 : i32 to index
      %get3A_624 = arith.constant 64 : index
      %get3A_625 = tpu.vector_load %arg9[%get3A_623, %get3A_624] {strides = array<i32>} : memref<256x128xf32, #tpu.memory_space<vmem>>, vector<1x16xf32>,
      %get3A_626 = vector.shape_cast %get3A_625 : vector<1x16xf32> to vector<16xf32>
      %sub3A_627 = arith.subf %get3A_622, %get3A_626 : vector<16xf32>
      %mul3A_628 = arith.mulf %sub3A_627, %sub3A_627 : vector<16xf32>
      %add3A_629 = arith.addf %add3A_569, %mul3A_628 : vector<16xf32>
      %get3A_630 = arith.constant 5 : i32
      %get3A_631 = arith.index_cast %add3A_616 : i32 to index
      %get3A_632 = arith.index_cast %get3A_630 : i32 to index
      %get3A_633 = arith.constant 16 : index
      %get3A_634 = tpu.vector_load %arg10[%get3A_631, %get3A_632, %get3A_633] {strides = array<i32>} : memref<64x8x64xf32, #tpu.memory_space<vmem>>, vector<1x1x16xf32>,
      %get3A_635 = vector.shape_cast %get3A_634 : vector<1x1x16xf32> to vector<16xf32>
      %get3A_636 = arith.index_cast %add3A_612 : i32 to index
      %get3A_637 = arith.constant 80 : index
      %get3A_638 = tpu.vector_load %arg9[%get3A_636, %get3A_637] {strides = array<i32>} : memref<256x128xf32, #tpu.memory_space<vmem>>, vector<1x16xf32>,
      %get3A_639 = vector.shape_cast %get3A_638 : vector<1x16xf32> to vector<16xf32>
      %sub3A_640 = arith.subf %get3A_635, %get3A_639 : vector<16xf32>
      %mul3A_641 = arith.mulf %sub3A_640, %sub3A_640 : vector<16xf32>
      %add3A_642 = arith.addf %add3A_582, %mul3A_641 : vector<16xf32>
      %get3A_643 = arith.constant 5 : i32
      %get3A_644 = arith.index_cast %add3A_616 : i32 to index
      %get3A_645 = arith.index_cast %get3A_643 : i32 to index
      %get3A_646 = arith.constant 32 : index
      %get3A_647 = tpu.vector_load %arg10[%get3A_644, %get3A_645, %get3A_646] {strides = array<i32>} : memref<64x8x64xf32, #tpu.memory_space<vmem>>, vector<1x1x16xf32>,
      %get3A_648 = vector.shape_cast %get3A_647 : vector<1x1x16xf32> to vector<16xf32>
      %get3A_649 = arith.index_cast %add3A_612 : i32 to index
      %get3A_650 = arith.constant 96 : index
      %get3A_651 = tpu.vector_load %arg9[%get3A_649, %get3A_650] {strides = array<i32>} : memref<256x128xf32, #tpu.memory_space<vmem>>, vector<1x16xf32>,
      %get3A_652 = vector.shape_cast %get3A_651 : vector<1x16xf32> to vector<16xf32>
      %sub3A_653 = arith.subf %get3A_648, %get3A_652 : vector<16xf32>
      %mul3A_654 = arith.mulf %sub3A_653, %sub3A_653 : vector<16xf32>
      %add3A_655 = arith.addf %add3A_595, %mul3A_654 : vector<16xf32>
      %get3A_656 = arith.constant 5 : i32
      %get3A_657 = arith.index_cast %add3A_616 : i32 to index
      %get3A_658 = arith.index_cast %get3A_656 : i32 to index
      %get3A_659 = arith.constant 48 : index
      %get3A_660 = tpu.vector_load %arg10[%get3A_657, %get3A_658, %get3A_659] {strides = array<i32>} : memref<64x8x64xf32, #tpu.memory_space<vmem>>, vector<1x1x16xf32>,
      %get3A_661 = vector.shape_cast %get3A_660 : vector<1x1x16xf32> to vector<16xf32>
      %get3A_662 = arith.index_cast %add3A_612 : i32 to index
      %get3A_663 = arith.constant 112 : index
      %get3A_664 = tpu.vector_load %arg9[%get3A_662, %get3A_663] {strides = array<i32>} : memref<256x128xf32, #tpu.memory_space<vmem>>, vector<1x16xf32>,
      %get3A_665 = vector.shape_cast %get3A_664 : vector<1x16xf32> to vector<16xf32>
      %sub3A_666 = arith.subf %get3A_661, %get3A_665 : vector<16xf32>
      %mul3A_667 = arith.mulf %sub3A_666, %sub3A_666 : vector<16xf32>
      %add3A_668 = arith.addf %add3A_608, %mul3A_667 : vector<16xf32>
      %mul3A_669 = arith.constant 8 : i32
      %mul3A_670 = arith.muli %scan3A_19, %mul3A_669 : i32
      %add3A_671 = arith.constant 3 : i32
      %add3A_672 = arith.addi %mul3A_670, %add3A_671 : i32
      %mul3A_673 = arith.constant 2 : i32
      %mul3A_674 = arith.muli %scan3A_19, %mul3A_673 : i32
      %add3A_675 = arith.constant 0 : i32
      %add3A_676 = arith.addi %mul3A_674, %add3A_675 : i32
      %get3A_677 = arith.constant 6 : i32
      %get3A_678 = arith.index_cast %add3A_676 : i32 to index
      %get3A_679 = arith.index_cast %get3A_677 : i32 to index
      %get3A_680 = arith.constant 0 : index
      %get3A_681 = tpu.vector_load %arg10[%get3A_678, %get3A_679, %get3A_680] {strides = array<i32>} : memref<64x8x64xf32, #tpu.memory_space<vmem>>, vector<1x1x16xf32>,
      %get3A_682 = vector.shape_cast %get3A_681 : vector<1x1x16xf32> to vector<16xf32>
      %get3A_683 = arith.index_cast %add3A_672 : i32 to index
      %get3A_684 = arith.constant 0 : index
      %get3A_685 = tpu.vector_load %arg9[%get3A_683, %get3A_684] {strides = array<i32>} : memref<256x128xf32, #tpu.memory_space<vmem>>, vector<1x16xf32>,
      %get3A_686 = vector.shape_cast %get3A_685 : vector<1x16xf32> to vector<16xf32>
      %sub3A_687 = arith.subf %get3A_682, %get3A_686 : vector<16xf32>
      %mul3A_688 = arith.mulf %sub3A_687, %sub3A_687 : vector<16xf32>
      %add3A_689 = arith.addf %add3A_629, %mul3A_688 : vector<16xf32>
      %get3A_690 = arith.constant 6 : i32
      %get3A_691 = arith.index_cast %add3A_676 : i32 to index
      %get3A_692 = arith.index_cast %get3A_690 : i32 to index
      %get3A_693 = arith.constant 16 : index
      %get3A_694 = tpu.vector_load %arg10[%get3A_691, %get3A_692, %get3A_693] {strides = array<i32>} : memref<64x8x64xf32, #tpu.memory_space<vmem>>, vector<1x1x16xf32>,
      %get3A_695 = vector.shape_cast %get3A_694 : vector<1x1x16xf32> to vector<16xf32>
      %get3A_696 = arith.index_cast %add3A_672 : i32 to index
      %get3A_697 = arith.constant 16 : index
      %get3A_698 = tpu.vector_load %arg9[%get3A_696, %get3A_697] {strides = array<i32>} : memref<256x128xf32, #tpu.memory_space<vmem>>, vector<1x16xf32>,
      %get3A_699 = vector.shape_cast %get3A_698 : vector<1x16xf32> to vector<16xf32>
      %sub3A_700 = arith.subf %get3A_695, %get3A_699 : vector<16xf32>
      %mul3A_701 = arith.mulf %sub3A_700, %sub3A_700 : vector<16xf32>
      %add3A_702 = arith.addf %add3A_642, %mul3A_701 : vector<16xf32>
      %get3A_703 = arith.constant 6 : i32
      %get3A_704 = arith.index_cast %add3A_676 : i32 to index
      %get3A_705 = arith.index_cast %get3A_703 : i32 to index
      %get3A_706 = arith.constant 32 : index
      %get3A_707 = tpu.vector_load %arg10[%get3A_704, %get3A_705, %get3A_706] {strides = array<i32>} : memref<64x8x64xf32, #tpu.memory_space<vmem>>, vector<1x1x16xf32>,
      %get3A_708 = vector.shape_cast %get3A_707 : vector<1x1x16xf32> to vector<16xf32>
      %get3A_709 = arith.index_cast %add3A_672 : i32 to index
      %get3A_710 = arith.constant 32 : index
      %get3A_711 = tpu.vector_load %arg9[%get3A_709, %get3A_710] {strides = array<i32>} : memref<256x128xf32, #tpu.memory_space<vmem>>, vector<1x16xf32>,
      %get3A_712 = vector.shape_cast %get3A_711 : vector<1x16xf32> to vector<16xf32>
      %sub3A_713 = arith.subf %get3A_708, %get3A_712 : vector<16xf32>
      %mul3A_714 = arith.mulf %sub3A_713, %sub3A_713 : vector<16xf32>
      %add3A_715 = arith.addf %add3A_655, %mul3A_714 : vector<16xf32>
      %get3A_716 = arith.constant 6 : i32
      %get3A_717 = arith.index_cast %add3A_676 : i32 to index
      %get3A_718 = arith.index_cast %get3A_716 : i32 to index
      %get3A_719 = arith.constant 48 : index
      %get3A_720 = tpu.vector_load %arg10[%get3A_717, %get3A_718, %get3A_719] {strides = array<i32>} : memref<64x8x64xf32, #tpu.memory_space<vmem>>, vector<1x1x16xf32>,
      %get3A_721 = vector.shape_cast %get3A_720 : vector<1x1x16xf32> to vector<16xf32>
      %get3A_722 = arith.index_cast %add3A_672 : i32 to index
      %get3A_723 = arith.constant 48 : index
      %get3A_724 = tpu.vector_load %arg9[%get3A_722, %get3A_723] {strides = array<i32>} : memref<256x128xf32, #tpu.memory_space<vmem>>, vector<1x16xf32>,
      %get3A_725 = vector.shape_cast %get3A_724 : vector<1x16xf32> to vector<16xf32>
      %sub3A_726 = arith.subf %get3A_721, %get3A_725 : vector<16xf32>
      %mul3A_727 = arith.mulf %sub3A_726, %sub3A_726 : vector<16xf32>
      %add3A_728 = arith.addf %add3A_668, %mul3A_727 : vector<16xf32>
      %mul3A_729 = arith.constant 8 : i32
      %mul3A_730 = arith.muli %scan3A_19, %mul3A_729 : i32
      %add3A_731 = arith.constant 3 : i32
      %add3A_732 = arith.addi %mul3A_730, %add3A_731 : i32
      %mul3A_733 = arith.constant 2 : i32
      %mul3A_734 = arith.muli %scan3A_19, %mul3A_733 : i32
      %add3A_735 = arith.constant 0 : i32
      %add3A_736 = arith.addi %mul3A_734, %add3A_735 : i32
      %get3A_737 = arith.constant 7 : i32
      %get3A_738 = arith.index_cast %add3A_736 : i32 to index
      %get3A_739 = arith.index_cast %get3A_737 : i32 to index
      %get3A_740 = arith.constant 0 : index
      %get3A_741 = tpu.vector_load %arg10[%get3A_738, %get3A_739, %get3A_740] {strides = array<i32>} : memref<64x8x64xf32, #tpu.memory_space<vmem>>, vector<1x1x16xf32>,
      %get3A_742 = vector.shape_cast %get3A_741 : vector<1x1x16xf32> to vector<16xf32>
      %get3A_743 = arith.index_cast %add3A_732 : i32 to index
      %get3A_744 = arith.constant 64 : index
      %get3A_745 = tpu.vector_load %arg9[%get3A_743, %get3A_744] {strides = array<i32>} : memref<256x128xf32, #tpu.memory_space<vmem>>, vector<1x16xf32>,
      %get3A_746 = vector.shape_cast %get3A_745 : vector<1x16xf32> to vector<16xf32>
      %sub3A_747 = arith.subf %get3A_742, %get3A_746 : vector<16xf32>
      %mul3A_748 = arith.mulf %sub3A_747, %sub3A_747 : vector<16xf32>
      %add3A_749 = arith.addf %add3A_689, %mul3A_748 : vector<16xf32>
      %get3A_750 = arith.constant 7 : i32
      %get3A_751 = arith.index_cast %add3A_736 : i32 to index
      %get3A_752 = arith.index_cast %get3A_750 : i32 to index
      %get3A_753 = arith.constant 16 : index
      %get3A_754 = tpu.vector_load %arg10[%get3A_751, %get3A_752, %get3A_753] {strides = array<i32>} : memref<64x8x64xf32, #tpu.memory_space<vmem>>, vector<1x1x16xf32>,
      %get3A_755 = vector.shape_cast %get3A_754 : vector<1x1x16xf32> to vector<16xf32>
      %get3A_756 = arith.index_cast %add3A_732 : i32 to index
      %get3A_757 = arith.constant 80 : index
      %get3A_758 = tpu.vector_load %arg9[%get3A_756, %get3A_757] {strides = array<i32>} : memref<256x128xf32, #tpu.memory_space<vmem>>, vector<1x16xf32>,
      %get3A_759 = vector.shape_cast %get3A_758 : vector<1x16xf32> to vector<16xf32>
      %sub3A_760 = arith.subf %get3A_755, %get3A_759 : vector<16xf32>
      %mul3A_761 = arith.mulf %sub3A_760, %sub3A_760 : vector<16xf32>
      %add3A_762 = arith.addf %add3A_702, %mul3A_761 : vector<16xf32>
      %get3A_763 = arith.constant 7 : i32
      %get3A_764 = arith.index_cast %add3A_736 : i32 to index
      %get3A_765 = arith.index_cast %get3A_763 : i32 to index
      %get3A_766 = arith.constant 32 : index
      %get3A_767 = tpu.vector_load %arg10[%get3A_764, %get3A_765, %get3A_766] {strides = array<i32>} : memref<64x8x64xf32, #tpu.memory_space<vmem>>, vector<1x1x16xf32>,
      %get3A_768 = vector.shape_cast %get3A_767 : vector<1x1x16xf32> to vector<16xf32>
      %get3A_769 = arith.index_cast %add3A_732 : i32 to index
      %get3A_770 = arith.constant 96 : index
      %get3A_771 = tpu.vector_load %arg9[%get3A_769, %get3A_770] {strides = array<i32>} : memref<256x128xf32, #tpu.memory_space<vmem>>, vector<1x16xf32>,
      %get3A_772 = vector.shape_cast %get3A_771 : vector<1x16xf32> to vector<16xf32>
      %sub3A_773 = arith.subf %get3A_768, %get3A_772 : vector<16xf32>
      %mul3A_774 = arith.mulf %sub3A_773, %sub3A_773 : vector<16xf32>
      %add3A_775 = arith.addf %add3A_715, %mul3A_774 : vector<16xf32>
      %get3A_776 = arith.constant 7 : i32
      %get3A_777 = arith.index_cast %add3A_736 : i32 to index
      %get3A_778 = arith.index_cast %get3A_776 : i32 to index
      %get3A_779 = arith.constant 48 : index
      %get3A_780 = tpu.vector_load %arg10[%get3A_777, %get3A_778, %get3A_779] {strides = array<i32>} : memref<64x8x64xf32, #tpu.memory_space<vmem>>, vector<1x1x16xf32>,
      %get3A_781 = vector.shape_cast %get3A_780 : vector<1x1x16xf32> to vector<16xf32>
      %get3A_782 = arith.index_cast %add3A_732 : i32 to index
      %get3A_783 = arith.constant 112 : index
      %get3A_784 = tpu.vector_load %arg9[%get3A_782, %get3A_783] {strides = array<i32>} : memref<256x128xf32, #tpu.memory_space<vmem>>, vector<1x16xf32>,
      %get3A_785 = vector.shape_cast %get3A_784 : vector<1x16xf32> to vector<16xf32>
      %sub3A_786 = arith.subf %get3A_781, %get3A_785 : vector<16xf32>
      %mul3A_787 = arith.mulf %sub3A_786, %sub3A_786 : vector<16xf32>
      %add3A_788 = arith.addf %add3A_728, %mul3A_787 : vector<16xf32>
      %mul3A_789 = arith.constant 8 : i32
      %mul3A_790 = arith.muli %scan3A_19, %mul3A_789 : i32
      %add3A_791 = arith.constant 4 : i32
      %add3A_792 = arith.addi %mul3A_790, %add3A_791 : i32
      %mul3A_793 = arith.constant 2 : i32
      %mul3A_794 = arith.muli %scan3A_19, %mul3A_793 : i32
      %add3A_795 = arith.constant 1 : i32
      %add3A_796 = arith.addi %mul3A_794, %add3A_795 : i32
      %get3A_797 = arith.constant 0 : i32
      %get3A_798 = arith.index_cast %add3A_796 : i32 to index
      %get3A_799 = arith.index_cast %get3A_797 : i32 to index
      %get3A_800 = arith.constant 0 : index
      %get3A_801 = tpu.vector_load %arg10[%get3A_798, %get3A_799, %get3A_800] {strides = array<i32>} : memref<64x8x64xf32, #tpu.memory_space<vmem>>, vector<1x1x16xf32>,
      %get3A_802 = vector.shape_cast %get3A_801 : vector<1x1x16xf32> to vector<16xf32>
      %get3A_803 = arith.index_cast %add3A_792 : i32 to index
      %get3A_804 = arith.constant 0 : index
      %get3A_805 = tpu.vector_load %arg9[%get3A_803, %get3A_804] {strides = array<i32>} : memref<256x128xf32, #tpu.memory_space<vmem>>, vector<1x16xf32>,
      %get3A_806 = vector.shape_cast %get3A_805 : vector<1x16xf32> to vector<16xf32>
      %sub3A_807 = arith.subf %get3A_802, %get3A_806 : vector<16xf32>
      %mul3A_808 = arith.mulf %sub3A_807, %sub3A_807 : vector<16xf32>
      %add3A_809 = arith.addf %add3A_749, %mul3A_808 : vector<16xf32>
      %get3A_810 = arith.constant 0 : i32
      %get3A_811 = arith.index_cast %add3A_796 : i32 to index
      %get3A_812 = arith.index_cast %get3A_810 : i32 to index
      %get3A_813 = arith.constant 16 : index
      %get3A_814 = tpu.vector_load %arg10[%get3A_811, %get3A_812, %get3A_813] {strides = array<i32>} : memref<64x8x64xf32, #tpu.memory_space<vmem>>, vector<1x1x16xf32>,
      %get3A_815 = vector.shape_cast %get3A_814 : vector<1x1x16xf32> to vector<16xf32>
      %get3A_816 = arith.index_cast %add3A_792 : i32 to index
      %get3A_817 = arith.constant 16 : index
      %get3A_818 = tpu.vector_load %arg9[%get3A_816, %get3A_817] {strides = array<i32>} : memref<256x128xf32, #tpu.memory_space<vmem>>, vector<1x16xf32>,
      %get3A_819 = vector.shape_cast %get3A_818 : vector<1x16xf32> to vector<16xf32>
      %sub3A_820 = arith.subf %get3A_815, %get3A_819 : vector<16xf32>
      %mul3A_821 = arith.mulf %sub3A_820, %sub3A_820 : vector<16xf32>
      %add3A_822 = arith.addf %add3A_762, %mul3A_821 : vector<16xf32>
      %get3A_823 = arith.constant 0 : i32
      %get3A_824 = arith.index_cast %add3A_796 : i32 to index
      %get3A_825 = arith.index_cast %get3A_823 : i32 to index
      %get3A_826 = arith.constant 32 : index
      %get3A_827 = tpu.vector_load %arg10[%get3A_824, %get3A_825, %get3A_826] {strides = array<i32>} : memref<64x8x64xf32, #tpu.memory_space<vmem>>, vector<1x1x16xf32>,
      %get3A_828 = vector.shape_cast %get3A_827 : vector<1x1x16xf32> to vector<16xf32>
      %get3A_829 = arith.index_cast %add3A_792 : i32 to index
      %get3A_830 = arith.constant 32 : index
      %get3A_831 = tpu.vector_load %arg9[%get3A_829, %get3A_830] {strides = array<i32>} : memref<256x128xf32, #tpu.memory_space<vmem>>, vector<1x16xf32>,
      %get3A_832 = vector.shape_cast %get3A_831 : vector<1x16xf32> to vector<16xf32>
      %sub3A_833 = arith.subf %get3A_828, %get3A_832 : vector<16xf32>
      %mul3A_834 = arith.mulf %sub3A_833, %sub3A_833 : vector<16xf32>
      %add3A_835 = arith.addf %add3A_775, %mul3A_834 : vector<16xf32>
      %get3A_836 = arith.constant 0 : i32
      %get3A_837 = arith.index_cast %add3A_796 : i32 to index
      %get3A_838 = arith.index_cast %get3A_836 : i32 to index
      %get3A_839 = arith.constant 48 : index
      %get3A_840 = tpu.vector_load %arg10[%get3A_837, %get3A_838, %get3A_839] {strides = array<i32>} : memref<64x8x64xf32, #tpu.memory_space<vmem>>, vector<1x1x16xf32>,
      %get3A_841 = vector.shape_cast %get3A_840 : vector<1x1x16xf32> to vector<16xf32>
      %get3A_842 = arith.index_cast %add3A_792 : i32 to index
      %get3A_843 = arith.constant 48 : index
      %get3A_844 = tpu.vector_load %arg9[%get3A_842, %get3A_843] {strides = array<i32>} : memref<256x128xf32, #tpu.memory_space<vmem>>, vector<1x16xf32>,
      %get3A_845 = vector.shape_cast %get3A_844 : vector<1x16xf32> to vector<16xf32>
      %sub3A_846 = arith.subf %get3A_841, %get3A_845 : vector<16xf32>
      %mul3A_847 = arith.mulf %sub3A_846, %sub3A_846 : vector<16xf32>
      %add3A_848 = arith.addf %add3A_788, %mul3A_847 : vector<16xf32>
      %mul3A_849 = arith.constant 8 : i32
      %mul3A_850 = arith.muli %scan3A_19, %mul3A_849 : i32
      %add3A_851 = arith.constant 4 : i32
      %add3A_852 = arith.addi %mul3A_850, %add3A_851 : i32
      %mul3A_853 = arith.constant 2 : i32
      %mul3A_854 = arith.muli %scan3A_19, %mul3A_853 : i32
      %add3A_855 = arith.constant 1 : i32
      %add3A_856 = arith.addi %mul3A_854, %add3A_855 : i32
      %get3A_857 = arith.constant 1 : i32
      %get3A_858 = arith.index_cast %add3A_856 : i32 to index
      %get3A_859 = arith.index_cast %get3A_857 : i32 to index
      %get3A_860 = arith.constant 0 : index
      %get3A_861 = tpu.vector_load %arg10[%get3A_858, %get3A_859, %get3A_860] {strides = array<i32>} : memref<64x8x64xf32, #tpu.memory_space<vmem>>, vector<1x1x16xf32>,
      %get3A_862 = vector.shape_cast %get3A_861 : vector<1x1x16xf32> to vector<16xf32>
      %get3A_863 = arith.index_cast %add3A_852 : i32 to index
      %get3A_864 = arith.constant 64 : index
      %get3A_865 = tpu.vector_load %arg9[%get3A_863, %get3A_864] {strides = array<i32>} : memref<256x128xf32, #tpu.memory_space<vmem>>, vector<1x16xf32>,
      %get3A_866 = vector.shape_cast %get3A_865 : vector<1x16xf32> to vector<16xf32>
      %sub3A_867 = arith.subf %get3A_862, %get3A_866 : vector<16xf32>
      %mul3A_868 = arith.mulf %sub3A_867, %sub3A_867 : vector<16xf32>
      %add3A_869 = arith.addf %add3A_809, %mul3A_868 : vector<16xf32>
      %get3A_870 = arith.constant 1 : i32
      %get3A_871 = arith.index_cast %add3A_856 : i32 to index
      %get3A_872 = arith.index_cast %get3A_870 : i32 to index
      %get3A_873 = arith.constant 16 : index
      %get3A_874 = tpu.vector_load %arg10[%get3A_871, %get3A_872, %get3A_873] {strides = array<i32>} : memref<64x8x64xf32, #tpu.memory_space<vmem>>, vector<1x1x16xf32>,
      %get3A_875 = vector.shape_cast %get3A_874 : vector<1x1x16xf32> to vector<16xf32>
      %get3A_876 = arith.index_cast %add3A_852 : i32 to index
      %get3A_877 = arith.constant 80 : index
      %get3A_878 = tpu.vector_load %arg9[%get3A_876, %get3A_877] {strides = array<i32>} : memref<256x128xf32, #tpu.memory_space<vmem>>, vector<1x16xf32>,
      %get3A_879 = vector.shape_cast %get3A_878 : vector<1x16xf32> to vector<16xf32>
      %sub3A_880 = arith.subf %get3A_875, %get3A_879 : vector<16xf32>
      %mul3A_881 = arith.mulf %sub3A_880, %sub3A_880 : vector<16xf32>
      %add3A_882 = arith.addf %add3A_822, %mul3A_881 : vector<16xf32>
      %get3A_883 = arith.constant 1 : i32
      %get3A_884 = arith.index_cast %add3A_856 : i32 to index
      %get3A_885 = arith.index_cast %get3A_883 : i32 to index
      %get3A_886 = arith.constant 32 : index
      %get3A_887 = tpu.vector_load %arg10[%get3A_884, %get3A_885, %get3A_886] {strides = array<i32>} : memref<64x8x64xf32, #tpu.memory_space<vmem>>, vector<1x1x16xf32>,
      %get3A_888 = vector.shape_cast %get3A_887 : vector<1x1x16xf32> to vector<16xf32>
      %get3A_889 = arith.index_cast %add3A_852 : i32 to index
      %get3A_890 = arith.constant 96 : index
      %get3A_891 = tpu.vector_load %arg9[%get3A_889, %get3A_890] {strides = array<i32>} : memref<256x128xf32, #tpu.memory_space<vmem>>, vector<1x16xf32>,
      %get3A_892 = vector.shape_cast %get3A_891 : vector<1x16xf32> to vector<16xf32>
      %sub3A_893 = arith.subf %get3A_888, %get3A_892 : vector<16xf32>
      %mul3A_894 = arith.mulf %sub3A_893, %sub3A_893 : vector<16xf32>
      %add3A_895 = arith.addf %add3A_835, %mul3A_894 : vector<16xf32>
      %get3A_896 = arith.constant 1 : i32
      %get3A_897 = arith.index_cast %add3A_856 : i32 to index
      %get3A_898 = arith.index_cast %get3A_896 : i32 to index
      %get3A_899 = arith.constant 48 : index
      %get3A_900 = tpu.vector_load %arg10[%get3A_897, %get3A_898, %get3A_899] {strides = array<i32>} : memref<64x8x64xf32, #tpu.memory_space<vmem>>, vector<1x1x16xf32>,
      %get3A_901 = vector.shape_cast %get3A_900 : vector<1x1x16xf32> to vector<16xf32>
      %get3A_902 = arith.index_cast %add3A_852 : i32 to index
      %get3A_903 = arith.constant 112 : index
      %get3A_904 = tpu.vector_load %arg9[%get3A_902, %get3A_903] {strides = array<i32>} : memref<256x128xf32, #tpu.memory_space<vmem>>, vector<1x16xf32>,
      %get3A_905 = vector.shape_cast %get3A_904 : vector<1x16xf32> to vector<16xf32>
      %sub3A_906 = arith.subf %get3A_901, %get3A_905 : vector<16xf32>
      %mul3A_907 = arith.mulf %sub3A_906, %sub3A_906 : vector<16xf32>
      %add3A_908 = arith.addf %add3A_848, %mul3A_907 : vector<16xf32>
      %mul3A_909 = arith.constant 8 : i32
      %mul3A_910 = arith.muli %scan3A_19, %mul3A_909 : i32
      %add3A_911 = arith.constant 5 : i32
      %add3A_912 = arith.addi %mul3A_910, %add3A_911 : i32
      %mul3A_913 = arith.constant 2 : i32
      %mul3A_914 = arith.muli %scan3A_19, %mul3A_913 : i32
      %add3A_915 = arith.constant 1 : i32
      %add3A_916 = arith.addi %mul3A_914, %add3A_915 : i32
      %get3A_917 = arith.constant 2 : i32
      %get3A_918 = arith.index_cast %add3A_916 : i32 to index
      %get3A_919 = arith.index_cast %get3A_917 : i32 to index
      %get3A_920 = arith.constant 0 : index
      %get3A_921 = tpu.vector_load %arg10[%get3A_918, %get3A_919, %get3A_920] {strides = array<i32>} : memref<64x8x64xf32, #tpu.memory_space<vmem>>, vector<1x1x16xf32>,
      %get3A_922 = vector.shape_cast %get3A_921 : vector<1x1x16xf32> to vector<16xf32>
      %get3A_923 = arith.index_cast %add3A_912 : i32 to index
      %get3A_924 = arith.constant 0 : index
      %get3A_925 = tpu.vector_load %arg9[%get3A_923, %get3A_924] {strides = array<i32>} : memref<256x128xf32, #tpu.memory_space<vmem>>, vector<1x16xf32>,
      %get3A_926 = vector.shape_cast %get3A_925 : vector<1x16xf32> to vector<16xf32>
      %sub3A_927 = arith.subf %get3A_922, %get3A_926 : vector<16xf32>
      %mul3A_928 = arith.mulf %sub3A_927, %sub3A_927 : vector<16xf32>
      %add3A_929 = arith.addf %add3A_869, %mul3A_928 : vector<16xf32>
      %get3A_930 = arith.constant 2 : i32
      %get3A_931 = arith.index_cast %add3A_916 : i32 to index
      %get3A_932 = arith.index_cast %get3A_930 : i32 to index
      %get3A_933 = arith.constant 16 : index
      %get3A_934 = tpu.vector_load %arg10[%get3A_931, %get3A_932, %get3A_933] {strides = array<i32>} : memref<64x8x64xf32, #tpu.memory_space<vmem>>, vector<1x1x16xf32>,
      %get3A_935 = vector.shape_cast %get3A_934 : vector<1x1x16xf32> to vector<16xf32>
      %get3A_936 = arith.index_cast %add3A_912 : i32 to index
      %get3A_937 = arith.constant 16 : index
      %get3A_938 = tpu.vector_load %arg9[%get3A_936, %get3A_937] {strides = array<i32>} : memref<256x128xf32, #tpu.memory_space<vmem>>, vector<1x16xf32>,
      %get3A_939 = vector.shape_cast %get3A_938 : vector<1x16xf32> to vector<16xf32>
      %sub3A_940 = arith.subf %get3A_935, %get3A_939 : vector<16xf32>
      %mul3A_941 = arith.mulf %sub3A_940, %sub3A_940 : vector<16xf32>
      %add3A_942 = arith.addf %add3A_882, %mul3A_941 : vector<16xf32>
      %get3A_943 = arith.constant 2 : i32
      %get3A_944 = arith.index_cast %add3A_916 : i32 to index
      %get3A_945 = arith.index_cast %get3A_943 : i32 to index
      %get3A_946 = arith.constant 32 : index
      %get3A_947 = tpu.vector_load %arg10[%get3A_944, %get3A_945, %get3A_946] {strides = array<i32>} : memref<64x8x64xf32, #tpu.memory_space<vmem>>, vector<1x1x16xf32>,
      %get3A_948 = vector.shape_cast %get3A_947 : vector<1x1x16xf32> to vector<16xf32>
      %get3A_949 = arith.index_cast %add3A_912 : i32 to index
      %get3A_950 = arith.constant 32 : index
      %get3A_951 = tpu.vector_load %arg9[%get3A_949, %get3A_950] {strides = array<i32>} : memref<256x128xf32, #tpu.memory_space<vmem>>, vector<1x16xf32>,
      %get3A_952 = vector.shape_cast %get3A_951 : vector<1x16xf32> to vector<16xf32>
      %sub3A_953 = arith.subf %get3A_948, %get3A_952 : vector<16xf32>
      %mul3A_954 = arith.mulf %sub3A_953, %sub3A_953 : vector<16xf32>
      %add3A_955 = arith.addf %add3A_895, %mul3A_954 : vector<16xf32>
      %get3A_956 = arith.constant 2 : i32
      %get3A_957 = arith.index_cast %add3A_916 : i32 to index
      %get3A_958 = arith.index_cast %get3A_956 : i32 to index
      %get3A_959 = arith.constant 48 : index
      %get3A_960 = tpu.vector_load %arg10[%get3A_957, %get3A_958, %get3A_959] {strides = array<i32>} : memref<64x8x64xf32, #tpu.memory_space<vmem>>, vector<1x1x16xf32>,
      %get3A_961 = vector.shape_cast %get3A_960 : vector<1x1x16xf32> to vector<16xf32>
      %get3A_962 = arith.index_cast %add3A_912 : i32 to index
      %get3A_963 = arith.constant 48 : index
      %get3A_964 = tpu.vector_load %arg9[%get3A_962, %get3A_963] {strides = array<i32>} : memref<256x128xf32, #tpu.memory_space<vmem>>, vector<1x16xf32>,
      %get3A_965 = vector.shape_cast %get3A_964 : vector<1x16xf32> to vector<16xf32>
      %sub3A_966 = arith.subf %get3A_961, %get3A_965 : vector<16xf32>
      %mul3A_967 = arith.mulf %sub3A_966, %sub3A_966 : vector<16xf32>
      %add3A_968 = arith.addf %add3A_908, %mul3A_967 : vector<16xf32>
      %mul3A_969 = arith.constant 8 : i32
      %mul3A_970 = arith.muli %scan3A_19, %mul3A_969 : i32
      %add3A_971 = arith.constant 5 : i32
      %add3A_972 = arith.addi %mul3A_970, %add3A_971 : i32
      %mul3A_973 = arith.constant 2 : i32
      %mul3A_974 = arith.muli %scan3A_19, %mul3A_973 : i32
      %add3A_975 = arith.constant 1 : i32
      %add3A_976 = arith.addi %mul3A_974, %add3A_975 : i32
      %get3A_977 = arith.constant 3 : i32
      %get3A_978 = arith.index_cast %add3A_976 : i32 to index
      %get3A_979 = arith.index_cast %get3A_977 : i32 to index
      %get3A_980 = arith.constant 0 : index
      %get3A_981 = tpu.vector_load %arg10[%get3A_978, %get3A_979, %get3A_980] {strides = array<i32>} : memref<64x8x64xf32, #tpu.memory_space<vmem>>, vector<1x1x16xf32>,
      %get3A_982 = vector.shape_cast %get3A_981 : vector<1x1x16xf32> to vector<16xf32>
      %get3A_983 = arith.index_cast %add3A_972 : i32 to index
      %get3A_984 = arith.constant 64 : index
      %get3A_985 = tpu.vector_load %arg9[%get3A_983, %get3A_984] {strides = array<i32>} : memref<256x128xf32, #tpu.memory_space<vmem>>, vector<1x16xf32>,
      %get3A_986 = vector.shape_cast %get3A_985 : vector<1x16xf32> to vector<16xf32>
      %sub3A_987 = arith.subf %get3A_982, %get3A_986 : vector<16xf32>
      %mul3A_988 = arith.mulf %sub3A_987, %sub3A_987 : vector<16xf32>
      %add3A_989 = arith.addf %add3A_929, %mul3A_988 : vector<16xf32>
      %get3A_990 = arith.constant 3 : i32
      %get3A_991 = arith.index_cast %add3A_976 : i32 to index
      %get3A_992 = arith.index_cast %get3A_990 : i32 to index
      %get3A_993 = arith.constant 16 : index
      %get3A_994 = tpu.vector_load %arg10[%get3A_991, %get3A_992, %get3A_993] {strides = array<i32>} : memref<64x8x64xf32, #tpu.memory_space<vmem>>, vector<1x1x16xf32>,
      %get3A_995 = vector.shape_cast %get3A_994 : vector<1x1x16xf32> to vector<16xf32>
      %get3A_996 = arith.index_cast %add3A_972 : i32 to index
      %get3A_997 = arith.constant 80 : index
      %get3A_998 = tpu.vector_load %arg9[%get3A_996, %get3A_997] {strides = array<i32>} : memref<256x128xf32, #tpu.memory_space<vmem>>, vector<1x16xf32>,
      %get3A_999 = vector.shape_cast %get3A_998 : vector<1x16xf32> to vector<16xf32>
      %sub3A_1000 = arith.subf %get3A_995, %get3A_999 : vector<16xf32>
      %mul3A_1001 = arith.mulf %sub3A_1000, %sub3A_1000 : vector<16xf32>
      %add3A_1002 = arith.addf %add3A_942, %mul3A_1001 : vector<16xf32>
      %get3A_1003 = arith.constant 3 : i32
      %get3A_1004 = arith.index_cast %add3A_976 : i32 to index
      %get3A_1005 = arith.index_cast %get3A_1003 : i32 to index
      %get3A_1006 = arith.constant 32 : index
      %get3A_1007 = tpu.vector_load %arg10[%get3A_1004, %get3A_1005, %get3A_1006] {strides = array<i32>} : memref<64x8x64xf32, #tpu.memory_space<vmem>>, vector<1x1x16xf32>,
      %get3A_1008 = vector.shape_cast %get3A_1007 : vector<1x1x16xf32> to vector<16xf32>
      %get3A_1009 = arith.index_cast %add3A_972 : i32 to index
      %get3A_1010 = arith.constant 96 : index
      %get3A_1011 = tpu.vector_load %arg9[%get3A_1009, %get3A_1010] {strides = array<i32>} : memref<256x128xf32, #tpu.memory_space<vmem>>, vector<1x16xf32>,
      %get3A_1012 = vector.shape_cast %get3A_1011 : vector<1x16xf32> to vector<16xf32>
      %sub3A_1013 = arith.subf %get3A_1008, %get3A_1012 : vector<16xf32>
      %mul3A_1014 = arith.mulf %sub3A_1013, %sub3A_1013 : vector<16xf32>
      %add3A_1015 = arith.addf %add3A_955, %mul3A_1014 : vector<16xf32>
      %get3A_1016 = arith.constant 3 : i32
      %get3A_1017 = arith.index_cast %add3A_976 : i32 to index
      %get3A_1018 = arith.index_cast %get3A_1016 : i32 to index
      %get3A_1019 = arith.constant 48 : index
      %get3A_1020 = tpu.vector_load %arg10[%get3A_1017, %get3A_1018, %get3A_1019] {strides = array<i32>} : memref<64x8x64xf32, #tpu.memory_space<vmem>>, vector<1x1x16xf32>,
      %get3A_1021 = vector.shape_cast %get3A_1020 : vector<1x1x16xf32> to vector<16xf32>
      %get3A_1022 = arith.index_cast %add3A_972 : i32 to index
      %get3A_1023 = arith.constant 112 : index
      %get3A_1024 = tpu.vector_load %arg9[%get3A_1022, %get3A_1023] {strides = array<i32>} : memref<256x128xf32, #tpu.memory_space<vmem>>, vector<1x16xf32>,
      %get3A_1025 = vector.shape_cast %get3A_1024 : vector<1x16xf32> to vector<16xf32>
      %sub3A_1026 = arith.subf %get3A_1021, %get3A_1025 : vector<16xf32>
      %mul3A_1027 = arith.mulf %sub3A_1026, %sub3A_1026 : vector<16xf32>
      %add3A_1028 = arith.addf %add3A_968, %mul3A_1027 : vector<16xf32>
      %mul3A_1029 = arith.constant 8 : i32
      %mul3A_1030 = arith.muli %scan3A_19, %mul3A_1029 : i32
      %add3A_1031 = arith.constant 6 : i32
      %add3A_1032 = arith.addi %mul3A_1030, %add3A_1031 : i32
      %mul3A_1033 = arith.constant 2 : i32
      %mul3A_1034 = arith.muli %scan3A_19, %mul3A_1033 : i32
      %add3A_1035 = arith.constant 1 : i32
      %add3A_1036 = arith.addi %mul3A_1034, %add3A_1035 : i32
      %get3A_1037 = arith.constant 4 : i32
      %get3A_1038 = arith.index_cast %add3A_1036 : i32 to index
      %get3A_1039 = arith.index_cast %get3A_1037 : i32 to index
      %get3A_1040 = arith.constant 0 : index
      %get3A_1041 = tpu.vector_load %arg10[%get3A_1038, %get3A_1039, %get3A_1040] {strides = array<i32>} : memref<64x8x64xf32, #tpu.memory_space<vmem>>, vector<1x1x16xf32>,
      %get3A_1042 = vector.shape_cast %get3A_1041 : vector<1x1x16xf32> to vector<16xf32>
      %get3A_1043 = arith.index_cast %add3A_1032 : i32 to index
      %get3A_1044 = arith.constant 0 : index
      %get3A_1045 = tpu.vector_load %arg9[%get3A_1043, %get3A_1044] {strides = array<i32>} : memref<256x128xf32, #tpu.memory_space<vmem>>, vector<1x16xf32>,
      %get3A_1046 = vector.shape_cast %get3A_1045 : vector<1x16xf32> to vector<16xf32>
      %sub3A_1047 = arith.subf %get3A_1042, %get3A_1046 : vector<16xf32>
      %mul3A_1048 = arith.mulf %sub3A_1047, %sub3A_1047 : vector<16xf32>
      %add3A_1049 = arith.addf %add3A_989, %mul3A_1048 : vector<16xf32>
      %get3A_1050 = arith.constant 4 : i32
      %get3A_1051 = arith.index_cast %add3A_1036 : i32 to index
      %get3A_1052 = arith.index_cast %get3A_1050 : i32 to index
      %get3A_1053 = arith.constant 16 : index
      %get3A_1054 = tpu.vector_load %arg10[%get3A_1051, %get3A_1052, %get3A_1053] {strides = array<i32>} : memref<64x8x64xf32, #tpu.memory_space<vmem>>, vector<1x1x16xf32>,
      %get3A_1055 = vector.shape_cast %get3A_1054 : vector<1x1x16xf32> to vector<16xf32>
      %get3A_1056 = arith.index_cast %add3A_1032 : i32 to index
      %get3A_1057 = arith.constant 16 : index
      %get3A_1058 = tpu.vector_load %arg9[%get3A_1056, %get3A_1057] {strides = array<i32>} : memref<256x128xf32, #tpu.memory_space<vmem>>, vector<1x16xf32>,
      %get3A_1059 = vector.shape_cast %get3A_1058 : vector<1x16xf32> to vector<16xf32>
      %sub3A_1060 = arith.subf %get3A_1055, %get3A_1059 : vector<16xf32>
      %mul3A_1061 = arith.mulf %sub3A_1060, %sub3A_1060 : vector<16xf32>
      %add3A_1062 = arith.addf %add3A_1002, %mul3A_1061 : vector<16xf32>
      %get3A_1063 = arith.constant 4 : i32
      %get3A_1064 = arith.index_cast %add3A_1036 : i32 to index
      %get3A_1065 = arith.index_cast %get3A_1063 : i32 to index
      %get3A_1066 = arith.constant 32 : index
      %get3A_1067 = tpu.vector_load %arg10[%get3A_1064, %get3A_1065, %get3A_1066] {strides = array<i32>} : memref<64x8x64xf32, #tpu.memory_space<vmem>>, vector<1x1x16xf32>,
      %get3A_1068 = vector.shape_cast %get3A_1067 : vector<1x1x16xf32> to vector<16xf32>
      %get3A_1069 = arith.index_cast %add3A_1032 : i32 to index
      %get3A_1070 = arith.constant 32 : index
      %get3A_1071 = tpu.vector_load %arg9[%get3A_1069, %get3A_1070] {strides = array<i32>} : memref<256x128xf32, #tpu.memory_space<vmem>>, vector<1x16xf32>,
      %get3A_1072 = vector.shape_cast %get3A_1071 : vector<1x16xf32> to vector<16xf32>
      %sub3A_1073 = arith.subf %get3A_1068, %get3A_1072 : vector<16xf32>
      %mul3A_1074 = arith.mulf %sub3A_1073, %sub3A_1073 : vector<16xf32>
      %add3A_1075 = arith.addf %add3A_1015, %mul3A_1074 : vector<16xf32>
      %get3A_1076 = arith.constant 4 : i32
      %get3A_1077 = arith.index_cast %add3A_1036 : i32 to index
      %get3A_1078 = arith.index_cast %get3A_1076 : i32 to index
      %get3A_1079 = arith.constant 48 : index
      %get3A_1080 = tpu.vector_load %arg10[%get3A_1077, %get3A_1078, %get3A_1079] {strides = array<i32>} : memref<64x8x64xf32, #tpu.memory_space<vmem>>, vector<1x1x16xf32>,
      %get3A_1081 = vector.shape_cast %get3A_1080 : vector<1x1x16xf32> to vector<16xf32>
      %get3A_1082 = arith.index_cast %add3A_1032 : i32 to index
      %get3A_1083 = arith.constant 48 : index
      %get3A_1084 = tpu.vector_load %arg9[%get3A_1082, %get3A_1083] {strides = array<i32>} : memref<256x128xf32, #tpu.memory_space<vmem>>, vector<1x16xf32>,
      %get3A_1085 = vector.shape_cast %get3A_1084 : vector<1x16xf32> to vector<16xf32>
      %sub3A_1086 = arith.subf %get3A_1081, %get3A_1085 : vector<16xf32>
      %mul3A_1087 = arith.mulf %sub3A_1086, %sub3A_1086 : vector<16xf32>
      %add3A_1088 = arith.addf %add3A_1028, %mul3A_1087 : vector<16xf32>
      %mul3A_1089 = arith.constant 8 : i32
      %mul3A_1090 = arith.muli %scan3A_19, %mul3A_1089 : i32
      %add3A_1091 = arith.constant 6 : i32
      %add3A_1092 = arith.addi %mul3A_1090, %add3A_1091 : i32
      %mul3A_1093 = arith.constant 2 : i32
      %mul3A_1094 = arith.muli %scan3A_19, %mul3A_1093 : i32
      %add3A_1095 = arith.constant 1 : i32
      %add3A_1096 = arith.addi %mul3A_1094, %add3A_1095 : i32
      %get3A_1097 = arith.constant 5 : i32
      %get3A_1098 = arith.index_cast %add3A_1096 : i32 to index
      %get3A_1099 = arith.index_cast %get3A_1097 : i32 to index
      %get3A_1100 = arith.constant 0 : index
      %get3A_1101 = tpu.vector_load %arg10[%get3A_1098, %get3A_1099, %get3A_1100] {strides = array<i32>} : memref<64x8x64xf32, #tpu.memory_space<vmem>>, vector<1x1x16xf32>,
      %get3A_1102 = vector.shape_cast %get3A_1101 : vector<1x1x16xf32> to vector<16xf32>
      %get3A_1103 = arith.index_cast %add3A_1092 : i32 to index
      %get3A_1104 = arith.constant 64 : index
      %get3A_1105 = tpu.vector_load %arg9[%get3A_1103, %get3A_1104] {strides = array<i32>} : memref<256x128xf32, #tpu.memory_space<vmem>>, vector<1x16xf32>,
      %get3A_1106 = vector.shape_cast %get3A_1105 : vector<1x16xf32> to vector<16xf32>
      %sub3A_1107 = arith.subf %get3A_1102, %get3A_1106 : vector<16xf32>
      %mul3A_1108 = arith.mulf %sub3A_1107, %sub3A_1107 : vector<16xf32>
      %add3A_1109 = arith.addf %add3A_1049, %mul3A_1108 : vector<16xf32>
      %get3A_1110 = arith.constant 5 : i32
      %get3A_1111 = arith.index_cast %add3A_1096 : i32 to index
      %get3A_1112 = arith.index_cast %get3A_1110 : i32 to index
      %get3A_1113 = arith.constant 16 : index
      %get3A_1114 = tpu.vector_load %arg10[%get3A_1111, %get3A_1112, %get3A_1113] {strides = array<i32>} : memref<64x8x64xf32, #tpu.memory_space<vmem>>, vector<1x1x16xf32>,
      %get3A_1115 = vector.shape_cast %get3A_1114 : vector<1x1x16xf32> to vector<16xf32>
      %get3A_1116 = arith.index_cast %add3A_1092 : i32 to index
      %get3A_1117 = arith.constant 80 : index
      %get3A_1118 = tpu.vector_load %arg9[%get3A_1116, %get3A_1117] {strides = array<i32>} : memref<256x128xf32, #tpu.memory_space<vmem>>, vector<1x16xf32>,
      %get3A_1119 = vector.shape_cast %get3A_1118 : vector<1x16xf32> to vector<16xf32>
      %sub3A_1120 = arith.subf %get3A_1115, %get3A_1119 : vector<16xf32>
      %mul3A_1121 = arith.mulf %sub3A_1120, %sub3A_1120 : vector<16xf32>
      %add3A_1122 = arith.addf %add3A_1062, %mul3A_1121 : vector<16xf32>
      %get3A_1123 = arith.constant 5 : i32
      %get3A_1124 = arith.index_cast %add3A_1096 : i32 to index
      %get3A_1125 = arith.index_cast %get3A_1123 : i32 to index
      %get3A_1126 = arith.constant 32 : index
      %get3A_1127 = tpu.vector_load %arg10[%get3A_1124, %get3A_1125, %get3A_1126] {strides = array<i32>} : memref<64x8x64xf32, #tpu.memory_space<vmem>>, vector<1x1x16xf32>,
      %get3A_1128 = vector.shape_cast %get3A_1127 : vector<1x1x16xf32> to vector<16xf32>
      %get3A_1129 = arith.index_cast %add3A_1092 : i32 to index
      %get3A_1130 = arith.constant 96 : index
      %get3A_1131 = tpu.vector_load %arg9[%get3A_1129, %get3A_1130] {strides = array<i32>} : memref<256x128xf32, #tpu.memory_space<vmem>>, vector<1x16xf32>,
      %get3A_1132 = vector.shape_cast %get3A_1131 : vector<1x16xf32> to vector<16xf32>
      %sub3A_1133 = arith.subf %get3A_1128, %get3A_1132 : vector<16xf32>
      %mul3A_1134 = arith.mulf %sub3A_1133, %sub3A_1133 : vector<16xf32>
      %add3A_1135 = arith.addf %add3A_1075, %mul3A_1134 : vector<16xf32>
      %get3A_1136 = arith.constant 5 : i32
      %get3A_1137 = arith.index_cast %add3A_1096 : i32 to index
      %get3A_1138 = arith.index_cast %get3A_1136 : i32 to index
      %get3A_1139 = arith.constant 48 : index
      %get3A_1140 = tpu.vector_load %arg10[%get3A_1137, %get3A_1138, %get3A_1139] {strides = array<i32>} : memref<64x8x64xf32, #tpu.memory_space<vmem>>, vector<1x1x16xf32>,
      %get3A_1141 = vector.shape_cast %get3A_1140 : vector<1x1x16xf32> to vector<16xf32>
      %get3A_1142 = arith.index_cast %add3A_1092 : i32 to index
      %get3A_1143 = arith.constant 112 : index
      %get3A_1144 = tpu.vector_load %arg9[%get3A_1142, %get3A_1143] {strides = array<i32>} : memref<256x128xf32, #tpu.memory_space<vmem>>, vector<1x16xf32>,
      %get3A_1145 = vector.shape_cast %get3A_1144 : vector<1x16xf32> to vector<16xf32>
      %sub3A_1146 = arith.subf %get3A_1141, %get3A_1145 : vector<16xf32>
      %mul3A_1147 = arith.mulf %sub3A_1146, %sub3A_1146 : vector<16xf32>
      %add3A_1148 = arith.addf %add3A_1088, %mul3A_1147 : vector<16xf32>
      %mul3A_1149 = arith.constant 8 : i32
      %mul3A_1150 = arith.muli %scan3A_19, %mul3A_1149 : i32
      %add3A_1151 = arith.constant 7 : i32
      %add3A_1152 = arith.addi %mul3A_1150, %add3A_1151 : i32
      %mul3A_1153 = arith.constant 2 : i32
      %mul3A_1154 = arith.muli %scan3A_19, %mul3A_1153 : i32
      %add3A_1155 = arith.constant 1 : i32
      %add3A_1156 = arith.addi %mul3A_1154, %add3A_1155 : i32
      %get3A_1157 = arith.constant 6 : i32
      %get3A_1158 = arith.index_cast %add3A_1156 : i32 to index
      %get3A_1159 = arith.index_cast %get3A_1157 : i32 to index
      %get3A_1160 = arith.constant 0 : index
      %get3A_1161 = tpu.vector_load %arg10[%get3A_1158, %get3A_1159, %get3A_1160] {strides = array<i32>} : memref<64x8x64xf32, #tpu.memory_space<vmem>>, vector<1x1x16xf32>,
      %get3A_1162 = vector.shape_cast %get3A_1161 : vector<1x1x16xf32> to vector<16xf32>
      %get3A_1163 = arith.index_cast %add3A_1152 : i32 to index
      %get3A_1164 = arith.constant 0 : index
      %get3A_1165 = tpu.vector_load %arg9[%get3A_1163, %get3A_1164] {strides = array<i32>} : memref<256x128xf32, #tpu.memory_space<vmem>>, vector<1x16xf32>,
      %get3A_1166 = vector.shape_cast %get3A_1165 : vector<1x16xf32> to vector<16xf32>
      %sub3A_1167 = arith.subf %get3A_1162, %get3A_1166 : vector<16xf32>
      %mul3A_1168 = arith.mulf %sub3A_1167, %sub3A_1167 : vector<16xf32>
      %add3A_1169 = arith.addf %add3A_1109, %mul3A_1168 : vector<16xf32>
      %get3A_1170 = arith.constant 6 : i32
      %get3A_1171 = arith.index_cast %add3A_1156 : i32 to index
      %get3A_1172 = arith.index_cast %get3A_1170 : i32 to index
      %get3A_1173 = arith.constant 16 : index
      %get3A_1174 = tpu.vector_load %arg10[%get3A_1171, %get3A_1172, %get3A_1173] {strides = array<i32>} : memref<64x8x64xf32, #tpu.memory_space<vmem>>, vector<1x1x16xf32>,
      %get3A_1175 = vector.shape_cast %get3A_1174 : vector<1x1x16xf32> to vector<16xf32>
      %get3A_1176 = arith.index_cast %add3A_1152 : i32 to index
      %get3A_1177 = arith.constant 16 : index
      %get3A_1178 = tpu.vector_load %arg9[%get3A_1176, %get3A_1177] {strides = array<i32>} : memref<256x128xf32, #tpu.memory_space<vmem>>, vector<1x16xf32>,
      %get3A_1179 = vector.shape_cast %get3A_1178 : vector<1x16xf32> to vector<16xf32>
      %sub3A_1180 = arith.subf %get3A_1175, %get3A_1179 : vector<16xf32>
      %mul3A_1181 = arith.mulf %sub3A_1180, %sub3A_1180 : vector<16xf32>
      %add3A_1182 = arith.addf %add3A_1122, %mul3A_1181 : vector<16xf32>
      %get3A_1183 = arith.constant 6 : i32
      %get3A_1184 = arith.index_cast %add3A_1156 : i32 to index
      %get3A_1185 = arith.index_cast %get3A_1183 : i32 to index
      %get3A_1186 = arith.constant 32 : index
      %get3A_1187 = tpu.vector_load %arg10[%get3A_1184, %get3A_1185, %get3A_1186] {strides = array<i32>} : memref<64x8x64xf32, #tpu.memory_space<vmem>>, vector<1x1x16xf32>,
      %get3A_1188 = vector.shape_cast %get3A_1187 : vector<1x1x16xf32> to vector<16xf32>
      %get3A_1189 = arith.index_cast %add3A_1152 : i32 to index
      %get3A_1190 = arith.constant 32 : index
      %get3A_1191 = tpu.vector_load %arg9[%get3A_1189, %get3A_1190] {strides = array<i32>} : memref<256x128xf32, #tpu.memory_space<vmem>>, vector<1x16xf32>,
      %get3A_1192 = vector.shape_cast %get3A_1191 : vector<1x16xf32> to vector<16xf32>
      %sub3A_1193 = arith.subf %get3A_1188, %get3A_1192 : vector<16xf32>
      %mul3A_1194 = arith.mulf %sub3A_1193, %sub3A_1193 : vector<16xf32>
      %add3A_1195 = arith.addf %add3A_1135, %mul3A_1194 : vector<16xf32>
      %get3A_1196 = arith.constant 6 : i32
      %get3A_1197 = arith.index_cast %add3A_1156 : i32 to index
      %get3A_1198 = arith.index_cast %get3A_1196 : i32 to index
      %get3A_1199 = arith.constant 48 : index
      %get3A_1200 = tpu.vector_load %arg10[%get3A_1197, %get3A_1198, %get3A_1199] {strides = array<i32>} : memref<64x8x64xf32, #tpu.memory_space<vmem>>, vector<1x1x16xf32>,
      %get3A_1201 = vector.shape_cast %get3A_1200 : vector<1x1x16xf32> to vector<16xf32>
      %get3A_1202 = arith.index_cast %add3A_1152 : i32 to index
      %get3A_1203 = arith.constant 48 : index
      %get3A_1204 = tpu.vector_load %arg9[%get3A_1202, %get3A_1203] {strides = array<i32>} : memref<256x128xf32, #tpu.memory_space<vmem>>, vector<1x16xf32>,
      %get3A_1205 = vector.shape_cast %get3A_1204 : vector<1x16xf32> to vector<16xf32>
      %sub3A_1206 = arith.subf %get3A_1201, %get3A_1205 : vector<16xf32>
      %mul3A_1207 = arith.mulf %sub3A_1206, %sub3A_1206 : vector<16xf32>
      %add3A_1208 = arith.addf %add3A_1148, %mul3A_1207 : vector<16xf32>
      %mul3A_1209 = arith.constant 8 : i32
      %mul3A_1210 = arith.muli %scan3A_19, %mul3A_1209 : i32
      %add3A_1211 = arith.constant 7 : i32
      %add3A_1212 = arith.addi %mul3A_1210, %add3A_1211 : i32
      %mul3A_1213 = arith.constant 2 : i32
      %mul3A_1214 = arith.muli %scan3A_19, %mul3A_1213 : i32
      %add3A_1215 = arith.constant 1 : i32
      %add3A_1216 = arith.addi %mul3A_1214, %add3A_1215 : i32
      %get3A_1217 = arith.constant 7 : i32
      %get3A_1218 = arith.index_cast %add3A_1216 : i32 to index
      %get3A_1219 = arith.index_cast %get3A_1217 : i32 to index
      %get3A_1220 = arith.constant 0 : index
      %get3A_1221 = tpu.vector_load %arg10[%get3A_1218, %get3A_1219, %get3A_1220] {strides = array<i32>} : memref<64x8x64xf32, #tpu.memory_space<vmem>>, vector<1x1x16xf32>,
      %get3A_1222 = vector.shape_cast %get3A_1221 : vector<1x1x16xf32> to vector<16xf32>
      %get3A_1223 = arith.index_cast %add3A_1212 : i32 to index
      %get3A_1224 = arith.constant 64 : index
      %get3A_1225 = tpu.vector_load %arg9[%get3A_1223, %get3A_1224] {strides = array<i32>} : memref<256x128xf32, #tpu.memory_space<vmem>>, vector<1x16xf32>,
      %get3A_1226 = vector.shape_cast %get3A_1225 : vector<1x16xf32> to vector<16xf32>
      %sub3A_1227 = arith.subf %get3A_1222, %get3A_1226 : vector<16xf32>
      %mul3A_1228 = arith.mulf %sub3A_1227, %sub3A_1227 : vector<16xf32>
      %add3A_1229 = arith.addf %add3A_1169, %mul3A_1228 : vector<16xf32>
      %get3A_1230 = arith.constant 7 : i32
      %get3A_1231 = arith.index_cast %add3A_1216 : i32 to index
      %get3A_1232 = arith.index_cast %get3A_1230 : i32 to index
      %get3A_1233 = arith.constant 16 : index
      %get3A_1234 = tpu.vector_load %arg10[%get3A_1231, %get3A_1232, %get3A_1233] {strides = array<i32>} : memref<64x8x64xf32, #tpu.memory_space<vmem>>, vector<1x1x16xf32>,
      %get3A_1235 = vector.shape_cast %get3A_1234 : vector<1x1x16xf32> to vector<16xf32>
      %get3A_1236 = arith.index_cast %add3A_1212 : i32 to index
      %get3A_1237 = arith.constant 80 : index
      %get3A_1238 = tpu.vector_load %arg9[%get3A_1236, %get3A_1237] {strides = array<i32>} : memref<256x128xf32, #tpu.memory_space<vmem>>, vector<1x16xf32>,
      %get3A_1239 = vector.shape_cast %get3A_1238 : vector<1x16xf32> to vector<16xf32>
      %sub3A_1240 = arith.subf %get3A_1235, %get3A_1239 : vector<16xf32>
      %mul3A_1241 = arith.mulf %sub3A_1240, %sub3A_1240 : vector<16xf32>
      %add3A_1242 = arith.addf %add3A_1182, %mul3A_1241 : vector<16xf32>
      %get3A_1243 = arith.constant 7 : i32
      %get3A_1244 = arith.index_cast %add3A_1216 : i32 to index
      %get3A_1245 = arith.index_cast %get3A_1243 : i32 to index
      %get3A_1246 = arith.constant 32 : index
      %get3A_1247 = tpu.vector_load %arg10[%get3A_1244, %get3A_1245, %get3A_1246] {strides = array<i32>} : memref<64x8x64xf32, #tpu.memory_space<vmem>>, vector<1x1x16xf32>,
      %get3A_1248 = vector.shape_cast %get3A_1247 : vector<1x1x16xf32> to vector<16xf32>
      %get3A_1249 = arith.index_cast %add3A_1212 : i32 to index
      %get3A_1250 = arith.constant 96 : index
      %get3A_1251 = tpu.vector_load %arg9[%get3A_1249, %get3A_1250] {strides = array<i32>} : memref<256x128xf32, #tpu.memory_space<vmem>>, vector<1x16xf32>,
      %get3A_1252 = vector.shape_cast %get3A_1251 : vector<1x16xf32> to vector<16xf32>
      %sub3A_1253 = arith.subf %get3A_1248, %get3A_1252 : vector<16xf32>
      %mul3A_1254 = arith.mulf %sub3A_1253, %sub3A_1253 : vector<16xf32>
      %add3A_1255 = arith.addf %add3A_1195, %mul3A_1254 : vector<16xf32>
      %get3A_1256 = arith.constant 7 : i32
      %get3A_1257 = arith.index_cast %add3A_1216 : i32 to index
      %get3A_1258 = arith.index_cast %get3A_1256 : i32 to index
      %get3A_1259 = arith.constant 48 : index
      %get3A_1260 = tpu.vector_load %arg10[%get3A_1257, %get3A_1258, %get3A_1259] {strides = array<i32>} : memref<64x8x64xf32, #tpu.memory_space<vmem>>, vector<1x1x16xf32>,
      %get3A_1261 = vector.shape_cast %get3A_1260 : vector<1x1x16xf32> to vector<16xf32>
      %get3A_1262 = arith.index_cast %add3A_1212 : i32 to index
      %get3A_1263 = arith.constant 112 : index
      %get3A_1264 = tpu.vector_load %arg9[%get3A_1262, %get3A_1263] {strides = array<i32>} : memref<256x128xf32, #tpu.memory_space<vmem>>, vector<1x16xf32>,
      %get3A_1265 = vector.shape_cast %get3A_1264 : vector<1x16xf32> to vector<16xf32>
      %sub3A_1266 = arith.subf %get3A_1261, %get3A_1265 : vector<16xf32>
      %mul3A_1267 = arith.mulf %sub3A_1266, %sub3A_1266 : vector<16xf32>
      %add3A_1268 = arith.addf %add3A_1208, %mul3A_1267 : vector<16xf32>
      scf.yield %add3A_1229, %add3A_1242, %add3A_1255, %add3A_1268 : vector<16xf32>, vector<16xf32>, vector<16xf32>, vector<16xf32>
    }
    %scan3A_12 = arith.constant 32 : i32
    %add3A_13 = arith.addf %scan3A_11#0, %scan3A_11#1 : vector<16xf32>
    %add3A_14 = arith.addf %add3A_13, %scan3A_11#2 : vector<16xf32>
    %add3A_15 = arith.addf %add3A_14, %scan3A_11#3 : vector<16xf32>
    %swap3A = arith.constant 0 : index
    %swap3A_16 = tpu.vector_load %arg11[%swap3A] {strides = array<i32>} : memref<16xf32, #tpu.memory_space<vmem>>, vector<16xf32>,
    %swap3A_17 = vector.shape_cast %swap3A_16 : vector<16xf32> to vector<16xf32>
    %swap3A_18 = vector.shape_cast %add3A_15 : vector<16xf32> to vector<16xf32>
    tpu.vector_store %arg11[%swap3A], %swap3A_18 {strides = array<i32>} : memref<16xf32, #tpu.memory_space<vmem>>, vector<16xf32>,
    "tpu.region"() ({
      %run_scoped3A = tpu.sem_alloc : memref<!tpu.dma_semaphore, #tpu.memory_space<semaphore_mem>>
      %dma_start3A = arith.constant 0 : i32
      %dma_start3A_19 = tpu.memref_slice %arg6[%add3A, %dma_start3A] : memref<32x16xf32, #tpu.memory_space<hbm>> -> memref<1x16xf32, #tpu.memory_space<hbm>>
      %dma_start3A_20 = tpu.memref_squeeze %dma_start3A_19 : memref<1x16xf32, #tpu.memory_space<hbm>> -> memref<16xf32, #tpu.memory_space<hbm>>
      %dma_start3A_21 = arith.constant 0 : i32
      %dma_start3A_22 = tpu.memref_slice %arg6[%add3A, %dma_start3A_21] : memref<32x16xf32, #tpu.memory_space<hbm>> -> memref<1x16xf32, #tpu.memory_space<hbm>>
      %dma_start3A_23 = tpu.memref_squeeze %dma_start3A_22 : memref<1x16xf32, #tpu.memory_space<hbm>> -> memref<16xf32, #tpu.memory_space<hbm>>
      tpu.enqueue_dma source(%arg11 : memref<16xf32, #tpu.memory_space<vmem>>) target(%dma_start3A_23 : memref<16xf32, #tpu.memory_space<hbm>>) target_semaphore(%run_scoped3A : memref<!tpu.dma_semaphore, #tpu.memory_space<semaphore_mem>>)
      %dma_wait3A = arith.constant 0 : i32
      %dma_wait3A_24 = tpu.memref_slice %arg6[%add3A, %dma_wait3A] : memref<32x16xf32, #tpu.memory_space<hbm>> -> memref<1x16xf32, #tpu.memory_space<hbm>>
      %dma_wait3A_25 = tpu.memref_squeeze %dma_wait3A_24 : memref<1x16xf32, #tpu.memory_space<hbm>> -> memref<16xf32, #tpu.memory_space<hbm>>
      %dma_wait3A_26 = arith.constant 0 : i32
      %dma_wait3A_27 = tpu.memref_slice %arg6[%add3A, %dma_wait3A_26] : memref<32x16xf32, #tpu.memory_space<hbm>> -> memref<1x16xf32, #tpu.memory_space<hbm>>
      %dma_wait3A_28 = tpu.memref_squeeze %dma_wait3A_27 : memref<1x16xf32, #tpu.memory_space<hbm>> -> memref<16xf32, #tpu.memory_space<hbm>>
      tpu.wait_dma2 semaphore(%run_scoped3A : memref<!tpu.dma_semaphore, #tpu.memory_space<semaphore_mem>>) src(%arg11 : memref<16xf32, #tpu.memory_space<vmem>>) dst(%dma_wait3A_28 : memref<16xf32, #tpu.memory_space<hbm>>)
      tpu.yield
    }) : () -> ()
    return
  }
}

module attributes {stable_mosaic.version = 14 : i64} {
  func.func @body(%arg0: memref<32x16xf32, #tpu.memory_space<vmem>>, %arg1: memref<1x1xf32, #tpu.memory_space<smem>>) attributes {dimension_semantics = [], scalar_prefetch = 0 : i64, scratch_operands = 0 : i64, tpu.core_type = #tpu.core_type<tc>} {
    %get3A = arith.constant 0 : index
    %get3A_0 = arith.constant 0 : index
    %get3A_1 = vector.load %arg0[%get3A, %get3A_0] : memref<32x16xf32, #tpu.memory_space<vmem>>, vector<32x16xf32>
    %reduce_sum3A = vector.shape_cast %get3A_1 : vector<32x16xf32> to vector<1x32x16xf32>
    %reduce_sum3A_2 = arith.constant dense<0.000000e+00> : vector<1xf32>
    %reduce_sum3A_3 = vector.multi_reduction <add>, %reduce_sum3A, %reduce_sum3A_2 [1, 2] : vector<1x32x16xf32> to vector<1xf32>
    %reduce_sum3A_4 = vector.shape_cast %reduce_sum3A_3 : vector<1xf32> to vector<1x1x1xf32>
    %reduce_sum3A_5 = vector.extract %reduce_sum3A_4[0, 0, 0] : f32 from vector<1x1x1xf32>
    %mul3A = arith.constant 6.10351563E-5 : f32
    %mul3A_6 = arith.mulf %reduce_sum3A_5, %mul3A : f32
    %swap3A = arith.constant 0 : index
    %swap3A_7 = arith.constant 0 : index
    %swap3A_8 = memref.load %arg1[%swap3A, %swap3A_7] : memref<1x1xf32, #tpu.memory_space<smem>>
    memref.store %mul3A_6, %arg1[%swap3A, %swap3A_7] : memref<1x1xf32, #tpu.memory_space<smem>>
    return
  }
}

</mosaic_0001>

<sc_bundles>
// kernel: kernel.4.cloned.1.call-start
scs
__scs_entry_jumppad:
0x0: {  	(pc) =	sbr.rel $0x88, $3  }
0x1: {  	(tag) =	ssettag $0x0;
	lr =	simm.s32 $0x1  }
0x2: {  	[smem:$0x3F9E] =	sst lr;
	_ =	strace $0xD0000000  }
0x3: {  	_ = 	snop  }
0x4: {  	_ = 	snop  }
0x5: {  	_ = 	snop  }
0x6: {  	_ = 	snop  }
0x7: {  	_ = 	snop  }
__scs_overlays_trampoline_lowered:
0x8: {  	[smem:$0x3FAD] =	sst s0  }
0x9: {  	[smem:$0x3FAE] =	sst s1  }
0xa: {  	[smem:$0x3FAF] =	sst s2  }
0xb: {  	[smem:$0x3FB0] =	sst s3  }
0xc: {  	[smem:$0x3FB1] =	sst s4  }
0xd: {  	[smem:$0x3FB2] =	sst s5  }
0xe: {  	[smem:$0x3FB3] =	sst s6  }
0xf: {  	[smem:$0x3FB4] =	sst s7  }
0x10: {  	[smem:$0x3FB5] =	sst s8  }
0x11: {  	[smem:$0x3FB6] =	sst s9;
	s0 =	simm.s32 @!p0 $0x0  }
0x12: {  	s1 =	sld [smem:$0x3F9C];
	s0 =	simm.s32 @p0 $0x1  }
0x13: {  	[smem:$0x3FB7] =	sst s0;
	s0 =	simm.s32 @!p1 $0x0  }
0x14: {  	s2 =	sld [smem:$0x3F9B];
	s0 =	simm.s32 @p1 $0x1  }
0x15: {  	[smem:$0x3FB8] =	sst s0;
	s0 =	simm.s32 @!p2 $0x0  }
0x16: {  	s3 =	sld [smem:$0x3FDB];
	s0 =	simm.s32 @p2 $0x1  }
0x17: {  	s4 =	simm.s32 $0x1BF5;
	[smem:$0x3FBA] =	sst s0  }
0x18: {  	s0 =	sld [smem:$0x3F9D];
	_ =	swait.ge [sflag:s4], $0x0  }
0x19: {  	s7 =	sld [smem:$0x3F9E]  }
0x1a: {  	s8 =	sadd.s32 $0xFFFFE003, lr  }
0x1b: {  	s9 =	sadd.s32 $0xFFFFFEF7, lr;
	s5 =	simm.s32 $0xFFFFFFFF;
	p2 =	slt.u32 s8, $0xFFFFF086  }
0x1c: {  	p1 =	slt.u32 s9, $0xF7A;
	s5 =	simm.s32 @!p2 $0x0  }
0x1d: {  	s5 =	simm.s32 @p1 $0x1;
	p0 =	seq.s32 s7, s2  }
0x1e: {  	s7 =	smul.u32 @!p0 $0xF7A, s2;
	p2 =	seq.s32 @!p0 s5, $0x0  }
0x1f: {  	s9 =	smul.u32 $0xF7A, s1;
	s8 =	simm.s32 @!p0 $0x1BF5;
	p2 =	por !p2, p0  }
0x20: {  	[sflag:s8] =	ssyncset.s32 @!p0 $0xFFFFF086;
	s6 =	sadd.s32 @!p0 s3, s7;
	s7 =	simm.s32 @!p0 $0x108  }
0x21: {  	s3 =	sadd.s32 s3, s9;
	s6 =	sadd.s32 @!p0 $0x88, s6;
	s7 =	simm.s32 @p2 $0x1082  }
0x22: {  	[simem:s7], [sflag:s8] =	dma.local @!p0 [hbm:s6], $0xF7A  }
0x23: {  	s9 =	sor.u32 $0xD0000000, s2;
	s6 =	simm.s32 $0x108;
	_ =	swait.ge @!p0 [sflag:s8], $0x0  }
0x24: {  	s3 =	sadd.s32 $0x88, s3;
	s6 =	simm.s32 @!p1 $0x1082;
	[sflag:s4] =	ssyncset.s32 $0xFFFFF086  }
0x25: {  	[simem:s6], [sflag:s4] =	dma.local [hbm:s3], $0xF7A  }
0x26: {  	[smem:$0x3F9E] =	sst s1;
	(tag) =	ssettag s2;
	_ =	strace s9  }
0x27: {  	s1 =	sld [smem:$0x3FAE]  }
0x28: {  	s2 =	sld [smem:$0x3FAF]  }
0x29: {  	s4 =	sld [smem:$0x3FB1]  }
0x2a: {  	p0 =	seq.s32 s5, $0x0;
	s5 =	sld [smem:$0x3FB2]  }
0x2b: {  	s6 =	sld [smem:$0x3FB3]  }
0x2c: {  	s7 =	sld [smem:$0x3FB4]  }
0x2d: {  	s3 =	simm.s32 $0x108;
	s8 =	sld [smem:$0x3FB5]  }
0x2e: {  	s3 =	simm.s32 @!p0 $0x1082;
	s9 =	sld [smem:$0x3FB6]  }
0x2f: {  	lr =	sadd.s32 s0, s3;
	s0 =	sld [smem:$0x3FAD]  }
0x30: {  	s3 =	sld [smem:$0x3FB0]  }
0x31: {  	[smem:$0x3FB9] =	sst s10  }
0x32: {  	s10 =	sld [smem:$0x3FB7];
	_ =	sdelay $0x3  }
0x33: {  	p0 =	seq.s32 s10, $0x1;
	s10 =	sld [smem:$0x3FB9];
	_ =	sdelay $0x3  }
0x34: {  	[smem:$0x3FB9] =	sst s10  }
0x35: {  	s10 =	sld [smem:$0x3FB8];
	_ =	sdelay $0x3  }
0x36: {  	p1 =	seq.s32 s10, $0x1;
	s10 =	sld [smem:$0x3FB9];
	_ =	sdelay $0x3  }
0x37: {  	[smem:$0x3FB9] =	sst s10  }
0x38: {  	s10 =	sld [smem:$0x3FBA]  }
0x39: {  	_ = 	snop;
	(pc) =	sbr.ind lr, $3  }
0x3a: {  	_ = 	snop  }
0x3b: {  	_ = 	snop  }
0x3c: {  	p2 =	seq.s32 s10, $0x1;
	s10 =	sld [smem:$0x3FB9]  }
0x3d: {  	_ =	shalt  }
0x3e: {  	_ =	shalt  }
0x3f: {  	_ =	shalt  }
0x40: {  	_ =	shalt  }
0x41: {  	_ =	shalt  }
0x42: {  	_ =	shalt  }
0x43: {  	_ =	shalt  }
0x44: {  	_ =	shalt  }
0x45: {  	_ =	shalt  }
0x46: {  	_ =	shalt  }
0x47: {  	_ =	shalt  }
0x48: {  	_ =	shalt  }
0x49: {  	_ =	shalt  }
0x4a: {  	_ =	shalt  }
0x4b: {  	_ =	shalt  }
0x4c: {  	_ =	shalt  }
0x4d: {  	_ =	shalt  }
0x4e: {  	_ =	shalt  }
0x4f: {  	_ =	shalt  }
0x50: {  	_ =	shalt  }
0x51: {  	_ =	shalt  }
0x52: {  	_ =	shalt  }
0x53: {  	_ =	shalt  }
0x54: {  	_ =	shalt  }
0x55: {  	_ =	shalt  }
0x56: {  	_ =	shalt  }
0x57: {  	_ =	shalt  }
0x58: {  	_ =	shalt  }
0x59: {  	_ =	shalt  }
0x5a: {  	_ =	shalt  }
0x5b: {  	_ =	shalt  }
0x5c: {  	_ =	shalt  }
0x5d: {  	_ =	shalt  }
0x5e: {  	_ =	shalt  }
0x5f: {  	_ =	shalt  }
0x60: {  	_ =	shalt  }
0x61: {  	_ =	shalt  }
0x62: {  	_ =	shalt  }
0x63: {  	_ =	shalt  }
0x64: {  	_ =	shalt  }
0x65: {  	_ =	shalt  }
0x66: {  	_ =	shalt  }
0x67: {  	_ =	shalt  }
0x68: {  	_ =	shalt  }
0x69: {  	_ =	shalt  }
0x6a: {  	_ =	shalt  }
0x6b: {  	_ =	shalt  }
0x6c: {  	_ =	shalt  }
0x6d: {  	_ =	shalt  }
0x6e: {  	_ =	shalt  }
0x6f: {  	_ =	shalt  }
0x70: {  	_ =	shalt  }
0x71: {  	_ =	shalt  }
0x72: {  	_ =	shalt  }
0x73: {  	_ =	shalt  }
0x74: {  	_ =	shalt  }
0x75: {  	_ =	shalt  }
0x76: {  	_ =	shalt  }
0x77: {  	_ =	shalt  }
0x78: {  	_ =	shalt  }
0x79: {  	_ =	shalt  }
0x7a: {  	_ =	shalt  }
0x7b: {  	_ =	shalt  }
0x7c: {  	_ =	shalt  }
0x7d: {  	_ =	shalt  }
0x7e: {  	_ =	shalt  }
0x7f: {  	_ =	shalt  }
0x80: {  	_ =	shalt  }
0x81: {  	_ =	shalt  }
0x82: {  	_ =	shalt  }
0x83: {  	_ =	shalt  }
0x84: {  	_ =	shalt  }
0x85: {  	_ =	shalt  }
0x86: {  	_ =	shalt  }
0x87: {  	_ =	shalt  }
.Lfunc_end0:
.L_simem_size_0:
called_computation_lowered:
.L_overlay_start_0:
0x88: {  	s2 =	sld [smem:$0x3FD9]  }
0x89: {  	s3 =	sld [smem:$0x3FFE];
	_ =	sdelay $0x1  }
0x8a: {  	s1 =	srdreg.scid  }
0x8b: {  	s0 =	sand.u32 $0x1, s1  }
0x8c: {  	s16 =	sshll.u32 s0, $0xA;
	s2 =	sadd.s32 s3, s2  }
0x8d: {  	s2 =	sadd.s32 s2, s16  }
0x8e: {  	[smem:$0x3FC5] =	sst s2  }
0x8f: {  	_ = 	snop  }
0x90: {  	(tm) =	ssettm $0x1  }
0x91: {  	s17 =	sld [smem:$0x3FFB];
	_ =	sdelay $0x3  }
0x92: {  	_ =	strace s17  }
0x93: {  	s2 =	sld [smem:$0x3FFC];
	_ =	sdelay $0x3  }
0x94: {  	_ =	strace s2  }
0x95: {  	s2 =	sld [smem:$0x3FFD];
	_ =	sdelay $0x3  }
0x96: {  	_ =	strace s2  }
0x97: {  	_ =	strace $0x8FFFFFFF  }
0x98: {  	s18 =	sld [smem:$0x3FDB];
	_ =	sdelay $0x1  }
0x99: {  	s19 =	simm.s32 $_scs_section_size  }
0x9a: {  	s4 =	simm.s32 $_size__tile_overlayer_lowered;
	s5 =	simm.s32 $_tile_overlayer_lowered  }
0x9b: {  	s22 =	simm.s32 $0x1BFF;
	s21 =	sshll.u32 s5, $0x1;
	s2 =	sadd.s32 s19, s18  }
0x9c: {  	s6 =	simm.s32 $0x0;
	s20 =	sshll.u32 s4, $0x1;
	s4 =	sadd.s32 s21, s2  }
0x9d: {  	[timem:s6], [sflag:s22] =	dma.local [hbm:s4], s20  }
0x9e: {  	_ =	swait.ge [sflag:s22], s20  }
0x9f: {  	s3 =	ssub.s32 $0x0, s20;
	[sflag:s22] =	ssyncset.done $0x0  }
0xa0: {  	[sflag:s22] =	ssyncadd.s32 s3;
	_ =	sdelay $0x1  }
0xa1: {  	s23 =	simm.s32 $0x1B8B  }
0xa2: {  	_ =	swait.ge [sflag:s23], $0x1  }
0xa3: {  	[sflag:s23] =	ssyncset.done $0x0  }
0xa4: {  	s25 =	simm.s32 $0x1B8E;
	s24 =	sld [smem:$0x3FFE];
	[sflag:s23] =	ssyncadd.s32 $0xFFFFFFFF  }
0xa5: {  	s26 =	simm.s32 $execute0_lowered;
	[smem:$0x3FD2] =	sst s25  }
0xa6: {  	s4 =	sshll.u32 s26, $0x1;
	_ =	strace $0x80000046;
	[dreg:$0x1] =	wrdreg $0xFFFFFFFF  }
0xa7: {  	s28 =	simm.s32 $_size_execute0_lowered;
	s2 =	sadd.s32 s2, s4;
	[dreg:$0x0] =	wrdreg $0x0  }
0xa8: {  	s4 =	sshll.u32 s28, $0x1;
	[dreg:$0x2] =	wrdreg s2  }
0xa9: {  	[dreg:$0x3] =	wrdreg s4  }
0xaa: {  	[dreg:$0x4] =	wrdreg $0xC0  }
0xab: {  	_ =	task [dreg:s6], $0x5FFFF  }
0xac: {  	[dreg:$0x1] =	wrdreg $0xFFFFFFFF  }
0xad: {  	[dreg:$0x0] =	wrdreg $0x60  }
0xae: {  	[dreg:$0x2] =	wrdreg s24  }
0xaf: {  	[dreg:$0x3] =	wrdreg $0x9  }
0xb0: {  	_ =	task.clear_ibuf [dreg:s6], $0x4FFFF;
	_ =	strace $0x90000046  }
0xb1: {  	s29 =	simm.s32 $0x9;
	_ =	strace $0x80000048  }
0xb2: {  	_ =	swait.ge [sflag:s29], $0x1  }
0xb3: {  	[sflag:s29] =	ssyncadd.s32 $0xFFFFFFFF  }
0xb4: {  	_ =	strace $0x90000048  }
0xb5: {  	_ =	sfence  }
0xb6: {  	s30 =	sld [smem:$0x0];
	_ =	sdelay $0x2  }
0xb7: {  	s31 =	sshll.u32 s1, $0xD;
	s1 =	sshrl.u32 s1, $0x2  }
0xb8: {  	s3 =	sand.u32 $0x4000, s31;
	s1 =	sadd.s32 s1, s30  }
0xb9: {  	s0 =	sor.u32 s3, s0;
	s1 =	sshll.u32 s1, $0x11  }
0xba: {  	s0 =	sor.u32 s1, s0  }
0xbb: {  	s0 =	sadd.s32 $0x8F2B, s0  }
0xbc: {  	[sflag:s0] =	ssyncadd.remote.s32 $0x1  }
0xbd: {  	_ =	sfence.sel $0xFFFF  }
0xbe: {  	[dreg:$0x0] =	wrdreg $0xFFFFFFFF;
	(pc) =	sbr.abs _section_cstart, $3  }
0xbf: {  	[dreg:$0x1] =	wrdreg $0xFFFFFFFF  }
0xc0: {  	_ =	task.clear_ibuf [dreg:s6], $0x2FFFF;
	_ =	strace $0x9FFFFFFF  }
0xc1: {  	(tm) =	ssettm $0x7FFFFFFF  }
tec
execute0_lowered:
.L_overlay_start_1:
0x0: {  	(tag) =	ssettag $0x1  }
0x1: {  	s4 =	rddreg [dreg:$0x0]  }
0x2: {  	s0 =	rddreg [dreg:$0x1];
	s3 =	srdreg.scid  }
0x3: {  	s1 =	stileid.u32;
	s2 =	simm.s32 $0x0;
	s11 =	simm.s32 $0x2  }
0x4: {  	s12 =	simm.s32 $0x8400;
	s13 =	simm.s32 $0x1;
	s14 =	simm.s32 $0x18400  }
0x5: {  	s15 =	simm.s32 $0x0;
	s3 =	sand.u32 $0x1, s3;
	s5 =	sshll.u32 s1, $0x1  }
0x6: {  	[smem:$0x7FF] =	sst s2;
	s6 =	sshrl.u32 s1, $0x2;
	s5 =	sor.u32 s3, s5  }
0x7: {  	_ =	strace $0x80000047;
	s8 =	sshll.u32 s6, $0xC;
	s6 =	sshll.u32 s6, $0xA  }
0x8: {  	s30 =	ssub.s32 $0x2, s3;
	s3 =	sadd.s32 $0x41800, s4;
	s7 =	sshll.u32 s5, $0x7  }
0x9: {  	s5 =	sshll.u32 s5, $0xD;
	s31 =	sshrl.u32 s30, $0x1;
	s7 =	sand.u32 $0x380, s7  }
0xa: {  	s9 =	sadd.s32 s5, s4;
	s29 =	sor.u32 s8, s7;
	s6 =	sor.u32 s6, s7  }
0xb: {  	s8 =	ssub.s32 s30, s31;
	s5 =	sshrl.u32 s29, $0x3;
	s6 =	sshrl.u32 s6, $0x3  }
0xc: {  	s8 =	smax.u32 s8, $0x1;
	s5 =	sadd.s32 s5, s4;
	s10 =	sadd.s32 s6, s4  }
0xd: {  	s6 =	sadd.s32 $0x1800, s9;
	s9 =	simm.s32 $0x80;
	s4 =	sadd.s32 $0x1000, s5  }
0xe: {  	s5 =	sadd.s32 $0x800, s5;
	s7 =	sadd.s32 $0xF83C00, s10;
	s10 =	simm.s32 $0x400  }
.LBB2_1:
0xf: {  	[tilespmem:s2], [sflag:$0x2] =	stream.strided.gather [hbm4b:s4+s9], $0x200, s10, s9, $0x38;
	[tilespmem:$0x18480] =	vst v63  }
0x10: {  	_ =	swait.ge [sflag:s11], $0x200  }
0x11: {  	[sflag:s11] =	ssyncset.done $0x0  }
0x12: {  	s16 =	simm.s32 $0x200;
	[sflag:s11] =	ssyncadd.s32 $0xFFFFFE00  }
0x13: {  	[tilespmem:s16], [sflag:$0x2] =	stream.strided.gather [hbm4b:s5+s9], $0x200, s10, s9, $0x38;
	[tilespmem:$0x18480] =	vst v63  }
0x14: {  	_ =	swait.ge [sflag:s11], $0x200  }
0x15: {  	[sflag:s11] =	ssyncset.done $0x0  }
0x16: {  	s17 =	simm.s32 $0x0;
	s18 =	simm.s32 $0x0;
	[sflag:s11] =	ssyncadd.s32 $0xFFFFFE00  }
.LBB2_2:
0x17: {  	v0 =	vld [tilespmem:s16+$0x0]  }
0x18: {  	v1 =	vld [tilespmem:s17+$0x0];
	_ =	sdelay $0x3  }
0x19: {  	v0 =	vshll.u32 v0, $0x7  }
0x1a: {  	v1 =	vshll.u32 v1, $0xA;
	(v2sf) =	vpush v0, $0x0  }
0x1b: {  	(v2sf) =	vpush v1, $0x0;
	_ =	sdelay $0x2  }
0x1c: {  	(v2sf) =	vpush v0, $0x1  }
0x1d: {  	(v2sf) =	vpush v1, $0x1;
	_ =	sdelay $0x9  }
0x1e: {  	s19 =	spop (v2sf)  }
0x1f: {  	(v2sf) =	vpush v0, $0x2;
	s20 =	sand.u32 $0xFFFFFC00, s19;
	s21 =	spop (v2sf)  }
0x20: {  	s19 =	sand.u32 $0x380, s19;
	(v2sf) =	vpush v1, $0x2;
	s20 =	sadd.s32 s21, s20  }
0x21: {  	s20 =	sor.u32 s19, s20  }
0x22: {  	s30 =	spop (v2sf);
	s19 =	sshra.s32 s18, $0x2;
	s20 =	sshrl.u32 s20, $0x3  }
0x23: {  	(v2sf) =	vpush v0, $0x3;
	s22 =	spop (v2sf);
	s29 =	sadd.s32 $0x400, s19;
	s20 =	sadd.s32 s3, s20  }
0x24: {  	(v2sf) =	vpush v1, $0x3;
	[tilespmem:s29], [sflag:$0x1] =	stream.strided.gather [hbm4b:s20+s9], $0x0, s10, s9, $0x38;
	[tilespmem:$0x18480] =	vst v63  }
0x25: {  	s31 =	sand.u32 $0xFFFFFC00, s30  }
0x26: {  	[tilespmem:s29], [sflag:$0x1] =	stream.linear.gather [hbm4b:s20+s2], $0x40, $0x38;
	[tilespmem:$0x18480] =	vst v63  }
0x27: {  	s21 =	sadd.s32 s22, s31;
	s20 =	sand.u32 $0x380, s30  }
0x28: {  	s20 =	sor.u32 s20, s21  }
0x29: {  	s20 =	sshrl.u32 s20, $0x3  }
0x2a: {  	s23 =	sadd.s32 $0x440, s19;
	s20 =	sadd.s32 s3, s20  }
0x2b: {  	[tilespmem:s23], [sflag:$0x1] =	stream.strided.gather [hbm4b:s20+s9], $0x0, s10, s9, $0x38;
	[tilespmem:$0x18480] =	vst v63  }
0x2c: {  	_ = 	snop  }
0x2d: {  	[tilespmem:s23], [sflag:$0x1] =	stream.linear.gather [hbm4b:s20+s2], $0x40, $0x38;
	[tilespmem:$0x18480] =	vst v63  }
0x2e: {  	s24 =	spop (v2sf)  }
0x2f: {  	(v2sf) =	vpush v0, $0x4;
	s25 =	sand.u32 $0xFFFFFC00, s24;
	s26 =	spop (v2sf)  }
0x30: {  	s20 =	sand.u32 $0x380, s24;
	(v2sf) =	vpush v1, $0x4;
	s21 =	sadd.s32 s26, s25  }
0x31: {  	s20 =	sor.u32 s20, s21  }
0x32: {  	s29 =	spop (v2sf);
	s20 =	sshrl.u32 s20, $0x3  }
0x33: {  	s28 =	sadd.s32 $0x480, s19;
	(v2sf) =	vpush v0, $0x5;
	s31 =	spop (v2sf);
	s20 =	sadd.s32 s3, s20  }
0x34: {  	(v2sf) =	vpush v1, $0x5;
	[tilespmem:s28], [sflag:$0x1] =	stream.strided.gather [hbm4b:s20+s9], $0x0, s10, s9, $0x38;
	[tilespmem:$0x18480] =	vst v63  }
0x35: {  	s30 =	sand.u32 $0xFFFFFC00, s29  }
0x36: {  	[tilespmem:s28], [sflag:$0x1] =	stream.linear.gather [hbm4b:s20+s2], $0x40, $0x38;
	[tilespmem:$0x18480] =	vst v63  }
0x37: {  	s21 =	sadd.s32 s31, s30;
	s20 =	sand.u32 $0x380, s29  }
0x38: {  	s20 =	sor.u32 s20, s21  }
0x39: {  	s20 =	sshrl.u32 s20, $0x3  }
0x3a: {  	s23 =	sadd.s32 $0x4C0, s19;
	s20 =	sadd.s32 s3, s20  }
0x3b: {  	[tilespmem:s23], [sflag:$0x1] =	stream.strided.gather [hbm4b:s20+s9], $0x0, s10, s9, $0x38;
	[tilespmem:$0x18480] =	vst v63  }
0x3c: {  	_ = 	snop  }
0x3d: {  	[tilespmem:s23], [sflag:$0x1] =	stream.linear.gather [hbm4b:s20+s2], $0x40, $0x38;
	[tilespmem:$0x18480] =	vst v63  }
0x3e: {  	s24 =	spop (v2sf)  }
0x3f: {  	(v2sf) =	vpush v0, $0x6;
	s25 =	sand.u32 $0xFFFFFC00, s24;
	s26 =	spop (v2sf)  }
0x40: {  	s20 =	sand.u32 $0x380, s24;
	(v2sf) =	vpush v1, $0x6;
	s21 =	sadd.s32 s26, s25  }
0x41: {  	s20 =	sor.u32 s20, s21  }
0x42: {  	s29 =	spop (v2sf);
	s20 =	sshrl.u32 s20, $0x3  }
0x43: {  	s28 =	sadd.s32 $0x500, s19;
	(v2sf) =	vpush v0, $0x7;
	s31 =	spop (v2sf);
	s20 =	sadd.s32 s3, s20  }
0x44: {  	(v2sf) =	vpush v1, $0x7;
	[tilespmem:s28], [sflag:$0x1] =	stream.strided.gather [hbm4b:s20+s9], $0x0, s10, s9, $0x38;
	[tilespmem:$0x18480] =	vst v63  }
0x45: {  	s30 =	sand.u32 $0xFFFFFC00, s29  }
0x46: {  	[tilespmem:s28], [sflag:$0x1] =	stream.linear.gather [hbm4b:s20+s2], $0x40, $0x38;
	[tilespmem:$0x18480] =	vst v63  }
0x47: {  	s21 =	sadd.s32 s31, s30;
	s20 =	sand.u32 $0x380, s29  }
0x48: {  	s20 =	sor.u32 s20, s21  }
0x49: {  	s20 =	sshrl.u32 s20, $0x3  }
0x4a: {  	s23 =	sadd.s32 $0x540, s19;
	s20 =	sadd.s32 s3, s20  }
0x4b: {  	[tilespmem:s23], [sflag:$0x1] =	stream.strided.gather [hbm4b:s20+s9], $0x0, s10, s9, $0x38;
	[tilespmem:$0x18480] =	vst v63  }
0x4c: {  	_ = 	snop  }
0x4d: {  	[tilespmem:s23], [sflag:$0x1] =	stream.linear.gather [hbm4b:s20+s2], $0x40, $0x38;
	[tilespmem:$0x18480] =	vst v63  }
0x4e: {  	s24 =	spop (v2sf)  }
0x4f: {  	(v2sf) =	vpush v0, $0x8;
	s25 =	sand.u32 $0xFFFFFC00, s24;
	s26 =	spop (v2sf)  }
0x50: {  	s20 =	sand.u32 $0x380, s24;
	(v2sf) =	vpush v1, $0x8;
	s21 =	sadd.s32 s26, s25  }
0x51: {  	s20 =	sor.u32 s20, s21  }
0x52: {  	s29 =	spop (v2sf);
	s20 =	sshrl.u32 s20, $0x3  }
0x53: {  	s28 =	sadd.s32 $0x580, s19;
	(v2sf) =	vpush v0, $0x9;
	s31 =	spop (v2sf);
	s20 =	sadd.s32 s3, s20  }
0x54: {  	(v2sf) =	vpush v1, $0x9;
	[tilespmem:s28], [sflag:$0x1] =	stream.strided.gather [hbm4b:s20+s9], $0x0, s10, s9, $0x38;
	[tilespmem:$0x18480] =	vst v63  }
0x55: {  	s30 =	sand.u32 $0xFFFFFC00, s29  }
0x56: {  	[tilespmem:s28], [sflag:$0x1] =	stream.linear.gather [hbm4b:s20+s2], $0x40, $0x38;
	[tilespmem:$0x18480] =	vst v63  }
0x57: {  	s21 =	sadd.s32 s31, s30;
	s20 =	sand.u32 $0x380, s29  }
0x58: {  	s20 =	sor.u32 s20, s21  }
0x59: {  	s20 =	sshrl.u32 s20, $0x3  }
0x5a: {  	s23 =	sadd.s32 $0x5C0, s19;
	s20 =	sadd.s32 s3, s20  }
0x5b: {  	[tilespmem:s23], [sflag:$0x1] =	stream.strided.gather [hbm4b:s20+s9], $0x0, s10, s9, $0x38;
	[tilespmem:$0x18480] =	vst v63  }
0x5c: {  	_ = 	snop  }
0x5d: {  	[tilespmem:s23], [sflag:$0x1] =	stream.linear.gather [hbm4b:s20+s2], $0x40, $0x38;
	[tilespmem:$0x18480] =	vst v63  }
0x5e: {  	s24 =	spop (v2sf)  }
0x5f: {  	(v2sf) =	vpush v0, $0xA;
	s25 =	sand.u32 $0xFFFFFC00, s24;
	s26 =	spop (v2sf)  }
0x60: {  	s20 =	sand.u32 $0x380, s24;
	(v2sf) =	vpush v1, $0xA;
	s21 =	sadd.s32 s26, s25  }
0x61: {  	s20 =	sor.u32 s20, s21  }
0x62: {  	s29 =	spop (v2sf);
	s20 =	sshrl.u32 s20, $0x3  }
0x63: {  	s28 =	sadd.s32 $0x600, s19;
	(v2sf) =	vpush v0, $0xB;
	s31 =	spop (v2sf);
	s20 =	sadd.s32 s3, s20  }
0x64: {  	(v2sf) =	vpush v1, $0xB;
	[tilespmem:s28], [sflag:$0x1] =	stream.strided.gather [hbm4b:s20+s9], $0x0, s10, s9, $0x38;
	[tilespmem:$0x18480] =	vst v63  }
0x65: {  	s30 =	sand.u32 $0xFFFFFC00, s29  }
0x66: {  	[tilespmem:s28], [sflag:$0x1] =	stream.linear.gather [hbm4b:s20+s2], $0x40, $0x38;
	[tilespmem:$0x18480] =	vst v63  }
0x67: {  	s21 =	sadd.s32 s31, s30;
	s20 =	sand.u32 $0x380, s29  }
0x68: {  	s20 =	sor.u32 s20, s21  }
0x69: {  	s20 =	sshrl.u32 s20, $0x3  }
0x6a: {  	s23 =	sadd.s32 $0x640, s19;
	s20 =	sadd.s32 s3, s20  }
0x6b: {  	[tilespmem:s23], [sflag:$0x1] =	stream.strided.gather [hbm4b:s20+s9], $0x0, s10, s9, $0x38;
	[tilespmem:$0x18480] =	vst v63  }
0x6c: {  	_ = 	snop  }
0x6d: {  	[tilespmem:s23], [sflag:$0x1] =	stream.linear.gather [hbm4b:s20+s2], $0x40, $0x38;
	[tilespmem:$0x18480] =	vst v63  }
0x6e: {  	s24 =	spop (v2sf)  }
0x6f: {  	(v2sf) =	vpush v0, $0xC;
	s25 =	sand.u32 $0xFFFFFC00, s24;
	s26 =	spop (v2sf)  }
0x70: {  	s20 =	sand.u32 $0x380, s24;
	(v2sf) =	vpush v1, $0xC;
	s21 =	sadd.s32 s26, s25  }
0x71: {  	s20 =	sor.u32 s20, s21  }
0x72: {  	s29 =	spop (v2sf);
	s20 =	sshrl.u32 s20, $0x3  }
0x73: {  	s28 =	sadd.s32 $0x680, s19;
	(v2sf) =	vpush v0, $0xD;
	s31 =	spop (v2sf);
	s20 =	sadd.s32 s3, s20  }
0x74: {  	(v2sf) =	vpush v1, $0xD;
	[tilespmem:s28], [sflag:$0x1] =	stream.strided.gather [hbm4b:s20+s9], $0x0, s10, s9, $0x38;
	[tilespmem:$0x18480] =	vst v63  }
0x75: {  	s30 =	sand.u32 $0xFFFFFC00, s29  }
0x76: {  	[tilespmem:s28], [sflag:$0x1] =	stream.linear.gather [hbm4b:s20+s2], $0x40, $0x38;
	[tilespmem:$0x18480] =	vst v63  }
0x77: {  	s21 =	sadd.s32 s31, s30;
	s20 =	sand.u32 $0x380, s29  }
0x78: {  	s20 =	sor.u32 s20, s21  }
0x79: {  	s20 =	sshrl.u32 s20, $0x3  }
0x7a: {  	s23 =	sadd.s32 $0x6C0, s19;
	s20 =	sadd.s32 s3, s20  }
0x7b: {  	[tilespmem:s23], [sflag:$0x1] =	stream.strided.gather [hbm4b:s20+s9], $0x0, s10, s9, $0x38;
	[tilespmem:$0x18480] =	vst v63  }
0x7c: {  	_ = 	snop  }
0x7d: {  	[tilespmem:s23], [sflag:$0x1] =	stream.linear.gather [hbm4b:s20+s2], $0x40, $0x38;
	[tilespmem:$0x18480] =	vst v63  }
0x7e: {  	s24 =	spop (v2sf)  }
0x7f: {  	(v2sf) =	vpush v0, $0xE;
	s25 =	sand.u32 $0xFFFFFC00, s24;
	s26 =	spop (v2sf)  }
0x80: {  	s20 =	sand.u32 $0x380, s24;
	(v2sf) =	vpush v1, $0xE;
	s21 =	sadd.s32 s26, s25  }
0x81: {  	s20 =	sor.u32 s20, s21  }
0x82: {  	s29 =	spop (v2sf);
	s20 =	sshrl.u32 s20, $0x3  }
0x83: {  	s28 =	sadd.s32 $0x700, s19;
	(v2sf) =	vpush v1, $0xF;
	s31 =	spop (v2sf);
	s20 =	sadd.s32 s3, s20  }
0x84: {  	(v2sf) =	vpush v0, $0xF;
	[tilespmem:s28], [sflag:$0x1] =	stream.strided.gather [hbm4b:s20+s9], $0x0, s10, s9, $0x38;
	[tilespmem:$0x18480] =	vst v63  }
0x85: {  	s30 =	sand.u32 $0xFFFFFC00, s29  }
0x86: {  	[tilespmem:s28], [sflag:$0x1] =	stream.linear.gather [hbm4b:s20+s2], $0x40, $0x38;
	[tilespmem:$0x18480] =	vst v63  }
0x87: {  	s21 =	sadd.s32 s31, s30;
	s20 =	sand.u32 $0x380, s29  }
0x88: {  	s20 =	sor.u32 s20, s21  }
0x89: {  	s20 =	sshrl.u32 s20, $0x3  }
0x8a: {  	s22 =	sadd.s32 $0x740, s19;
	s20 =	sadd.s32 s3, s20  }
0x8b: {  	[tilespmem:s22], [sflag:$0x1] =	stream.strided.gather [hbm4b:s20+s9], $0x0, s10, s9, $0x38;
	[tilespmem:$0x18480] =	vst v63  }
0x8c: {  	_ = 	snop  }
0x8d: {  	[tilespmem:s22], [sflag:$0x1] =	stream.linear.gather [hbm4b:s20+s2], $0x40, $0x38;
	[tilespmem:$0x18480] =	vst v63  }
0x8e: {  	s23 =	spop (v2sf)  }
0x8f: {  	s24 =	spop (v2sf);
	s25 =	sand.u32 $0xFFFFFC00, s23  }
0x90: {  	s26 =	sand.u32 $0x380, s23;
	s20 =	sadd.s32 s24, s25  }
0x91: {  	s20 =	sor.u32 s26, s20  }
0x92: {  	s29 =	spop (v2sf);
	s20 =	sshrl.u32 s20, $0x3  }
0x93: {  	s28 =	sadd.s32 $0x780, s19;
	s30 =	spop (v2sf);
	s20 =	sadd.s32 s3, s20  }
0x94: {  	[tilespmem:s28], [sflag:$0x1] =	stream.strided.gather [hbm4b:s20+s9], $0x0, s10, s9, $0x38;
	[tilespmem:$0x18480] =	vst v63  }
0x95: {  	s31 =	sand.u32 $0xFFFFFC00, s30  }
0x96: {  	[tilespmem:s28], [sflag:$0x1] =	stream.linear.gather [hbm4b:s20+s2], $0x40, $0x38;
	[tilespmem:$0x18480] =	vst v63  }
0x97: {  	s21 =	sadd.s32 s29, s31;
	s20 =	sand.u32 $0x380, s30  }
0x98: {  	p0 =	sne.s32 s18, $0x1F000;
	s20 =	sor.u32 s20, s21  }
.Ltmp0:
0x99: {  	s20 =	sshrl.u32 s20, $0x3;
	(pc) =	sbr.rel @p0 .LBB2_2-.Ltmp0, $4  }
0x9a: {  	s19 =	sadd.s32 $0x7C0, s19;
	s20 =	sadd.s32 s3, s20  }
0x9b: {  	[tilespmem:s19], [sflag:$0x1] =	stream.strided.gather [hbm4b:s20+s9], $0x0, s10, s9, $0x38;
	[tilespmem:$0x18480] =	vst v63  }
0x9c: {  	s17 =	sadd.s32 $0x10, s17;
	s16 =	sadd.s32 $0x10, s16;
	s18 =	sadd.s32 $0x1000, s18  }
0x9d: {  	[tilespmem:s19], [sflag:$0x1] =	stream.linear.gather [hbm4b:s20+s2], $0x40, $0x38;
	[tilespmem:$0x18480] =	vst v63  }
0x9e: {  	s16 =	simm.s32 $0x0  }
0x9f: {  	[tilespmem:s12], [sflag:$0x2] =	stream.linear.gather [hbm4b:s6+s16], $0x10000, $0x38;
	[tilespmem:$0x18480] =	vst v63  }
0xa0: {  	_ =	swait.ge [sflag:s11], $0x10000  }
0xa1: {  	v0 =	vimm.f32 $0.0e+00;
	[sflag:s11] =	ssyncset.done $0x0  }
0xa2: {  	s17 =	simm.s32 $0x600;
	v1 =	vimm.f32 $0.0e+00;
	v2 =	vimm.f32 $0.0e+00;
	v3 =	vimm.f32 $0.0e+00;
	[sflag:s11] =	ssyncadd.s32 $0xFFFF0000  }
.LBB2_4:
0xa3: {  	_ =	swait.ge [sflag:s13], $0x40  }
0xa4: {  	[sflag:s13] =	ssyncset.done $0x0  }
0xa5: {  	[sflag:s13] =	ssyncadd.s32 $0xFFFFFFC0  }
0xa6: {  	_ =	swait.ge [sflag:s13], $0x40  }
0xa7: {  	[sflag:s13] =	ssyncset.done $0x0  }
0xa8: {  	[sflag:s13] =	ssyncadd.s32 $0xFFFFFFC0  }
0xa9: {  	_ =	swait.ge [sflag:s13], $0x40  }
0xaa: {  	[sflag:s13] =	ssyncset.done $0x0  }
0xab: {  	[sflag:s13] =	ssyncadd.s32 $0xFFFFFFC0  }
0xac: {  	_ =	swait.ge [sflag:s13], $0x40  }
0xad: {  	[sflag:s13] =	ssyncset.done $0x0  }
0xae: {  	[sflag:s13] =	ssyncadd.s32 $0xFFFFFFC0  }
0xaf: {  	_ =	swait.ge [sflag:s13], $0x40  }
0xb0: {  	[sflag:s13] =	ssyncset.done $0x0  }
0xb1: {  	[sflag:s13] =	ssyncadd.s32 $0xFFFFFFC0  }
0xb2: {  	_ =	swait.ge [sflag:s13], $0x40  }
0xb3: {  	[sflag:s13] =	ssyncset.done $0x0  }
0xb4: {  	[sflag:s13] =	ssyncadd.s32 $0xFFFFFFC0  }
0xb5: {  	_ =	swait.ge [sflag:s13], $0x40  }
0xb6: {  	[sflag:s13] =	ssyncset.done $0x0  }
0xb7: {  	[sflag:s13] =	ssyncadd.s32 $0xFFFFFFC0  }
0xb8: {  	_ =	swait.ge [sflag:s13], $0x40  }
0xb9: {  	[sflag:s13] =	ssyncset.done $0x0  }
0xba: {  	[sflag:s13] =	ssyncadd.s32 $0xFFFFFFC0  }
0xbb: {  	_ =	swait.ge [sflag:s13], $0x40  }
0xbc: {  	[sflag:s13] =	ssyncset.done $0x0  }
0xbd: {  	[sflag:s13] =	ssyncadd.s32 $0xFFFFFFC0  }
0xbe: {  	_ =	swait.ge [sflag:s13], $0x40  }
0xbf: {  	[sflag:s13] =	ssyncset.done $0x0  }
0xc0: {  	[sflag:s13] =	ssyncadd.s32 $0xFFFFFFC0  }
0xc1: {  	_ =	swait.ge [sflag:s13], $0x40  }
0xc2: {  	[sflag:s13] =	ssyncset.done $0x0  }
0xc3: {  	[sflag:s13] =	ssyncadd.s32 $0xFFFFFFC0  }
0xc4: {  	_ =	swait.ge [sflag:s13], $0x40  }
0xc5: {  	[sflag:s13] =	ssyncset.done $0x0  }
0xc6: {  	[sflag:s13] =	ssyncadd.s32 $0xFFFFFFC0  }
0xc7: {  	_ =	swait.ge [sflag:s13], $0x40  }
0xc8: {  	[sflag:s13] =	ssyncset.done $0x0  }
0xc9: {  	[sflag:s13] =	ssyncadd.s32 $0xFFFFFFC0  }
0xca: {  	_ =	swait.ge [sflag:s13], $0x40  }
0xcb: {  	[sflag:s13] =	ssyncset.done $0x0  }
0xcc: {  	[sflag:s13] =	ssyncadd.s32 $0xFFFFFFC0  }
0xcd: {  	_ =	swait.ge [sflag:s13], $0x40  }
0xce: {  	[sflag:s13] =	ssyncset.done $0x0  }
0xcf: {  	[sflag:s13] =	ssyncadd.s32 $0xFFFFFFC0  }
0xd0: {  	_ =	swait.ge [sflag:s13], $0x40  }
0xd1: {  	[sflag:s13] =	ssyncset.done $0x0  }
0xd2: {  	s18 =	sshra.s32 s16, $0x2;
	[sflag:s13] =	ssyncadd.s32 $0xFFFFFFC0  }
0xd3: {  	v4 =	vld [tilespmem:s18+$0x8400]  }
0xd4: {  	v5 =	vld [tilespmem:s17+$0xFFFFFE00]  }
0xd5: {  	v6 =	vld [tilespmem:s18+$0x8410]  }
0xd6: {  	v7 =	vld [tilespmem:s17+$0xFFFFFE10]  }
0xd7: {  	v8 =	vld [tilespmem:s18+$0x8420]  }
0xd8: {  	v9 =	vld [tilespmem:s17+$0xFFFFFE20]  }
0xd9: {  	v10 =	vld [tilespmem:s18+$0x8430]  }
0xda: {  	v11 =	vld [tilespmem:s17+$0xFFFFFE30]  }
0xdb: {  	v12 =	vld [tilespmem:s18+$0x8480]  }
0xdc: {  	v13 =	vld [tilespmem:s17+$0xFFFFFE40]  }
0xdd: {  	v14 =	vld [tilespmem:s18+$0x8490]  }
0xde: {  	v15 =	vld [tilespmem:s17+$0xFFFFFE50]  }
0xdf: {  	v16 =	vld [tilespmem:s18+$0x84A0]  }
0xe0: {  	v17 =	vld [tilespmem:s17+$0xFFFFFE60]  }
0xe1: {  	v18 =	vld [tilespmem:s18+$0x84B0]  }
0xe2: {  	v19 =	vld [tilespmem:s17+$0xFFFFFE70]  }
0xe3: {  	v20 =	vld [tilespmem:s18+$0x8500]  }
0xe4: {  	v21 =	vld [tilespmem:s17+$0xFFFFFE80]  }
0xe5: {  	v22 =	vld [tilespmem:s18+$0x8510]  }
0xe6: {  	v23 =	vld [tilespmem:s17+$0xFFFFFE90]  }
0xe7: {  	v24 =	vld [tilespmem:s18+$0x8520]  }
0xe8: {  	v25 =	vld [tilespmem:s17+$0xFFFFFEA0]  }
0xe9: {  	v26 =	vld [tilespmem:s18+$0x8530]  }
0xea: {  	v27 =	vld [tilespmem:s17+$0xFFFFFEB0]  }
0xeb: {  	v28 =	vld [tilespmem:s18+$0x8580]  }
0xec: {  	v29 =	vld [tilespmem:s17+$0xFFFFFEC0]  }
0xed: {  	v30 =	vld [tilespmem:s18+$0x8590]  }
0xee: {  	v31 =	vld [tilespmem:s17+$0xFFFFFED0]  }
0xef: {  	v32 =	vld [tilespmem:s18+$0x85A0]  }
0xf0: {  	v33 =	vld [tilespmem:s17+$0xFFFFFEE0]  }
0xf1: {  	v34 =	vld [tilespmem:s18+$0x85B0]  }
0xf2: {  	v35 =	vld [tilespmem:s17+$0xFFFFFEF0]  }
0xf3: {  	v36 =	vld [tilespmem:s18+$0x8600]  }
0xf4: {  	v37 =	vld [tilespmem:s17+$0xFFFFFF00]  }
0xf5: {  	v38 =	vld [tilespmem:s18+$0x8610]  }
0xf6: {  	v39 =	vld [tilespmem:s17+$0xFFFFFF10]  }
0xf7: {  	v40 =	vld [tilespmem:s18+$0x8620]  }
0xf8: {  	v41 =	vld [tilespmem:s17+$0xFFFFFF20]  }
0xf9: {  	v42 =	vld [tilespmem:s18+$0x8630]  }
0xfa: {  	v43 =	vld [tilespmem:s17+$0xFFFFFF30]  }
0xfb: {  	v44 =	vld [tilespmem:s18+$0x8680]  }
0xfc: {  	v45 =	vld [tilespmem:s17+$0xFFFFFF40]  }
0xfd: {  	v46 =	vld [tilespmem:s18+$0x8690]  }
0xfe: {  	v47 =	vld [tilespmem:s17+$0xFFFFFF50]  }
0xff: {  	v48 =	vld [tilespmem:s18+$0x86A0]  }
0x100: {  	v49 =	vld [tilespmem:s17+$0xFFFFFF60]  }
0x101: {  	v50 =	vld [tilespmem:s18+$0x86B0]  }
0x102: {  	v51 =	vld [tilespmem:s17+$0xFFFFFF70]  }
0x103: {  	v52 =	vld [tilespmem:s18+$0x8700]  }
0x104: {  	v53 =	vld [tilespmem:s17+$0xFFFFFF80]  }
0x105: {  	v54 =	vld [tilespmem:s18+$0x8710]  }
0x106: {  	v55 =	vld [tilespmem:s17+$0xFFFFFF90]  }
0x107: {  	v56 =	vld [tilespmem:s18+$0x8720]  }
0x108: {  	v57 =	vld [tilespmem:s17+$0xFFFFFFA0]  }
0x109: {  	v58 =	vld [tilespmem:s18+$0x8730]  }
0x10a: {  	v60 =	vld [tilespmem:s18+$0x8780]  }
0x10b: {  	v59 =	vld [tilespmem:s17+$0xFFFFFFB0]  }
0x10c: {  	v61 =	vld [tilespmem:s17+$0xFFFFFFC0]  }
0x10d: {  	v62 =	vld [tilespmem:s18+$0x8790]  }
0x10e: {  	v63 =	vld [tilespmem:s17+$0xFFFFFFD0]  }
0x10f: {  	[tilespmem:$0x1FFF0] =	vst v60;
	v60 =	vld [tilespmem:s18+$0x87A0]  }
0x110: {  	v4 =	vsub.f32 v4, v5;
	v5 =	vsub.f32 v6, v7;
	v6 =	vld [tilespmem:s17+$0xFFFFFFE0]  }
0x111: {  	v7 =	vsub.f32 v8, v9;
	v9 =	vld [tilespmem:s18+$0x87B0]  }
0x112: {  	v8 =	vsub.f32 v10, v11;
	v10 =	vld [tilespmem:s17+$0xFFFFFFF0]  }
0x113: {  	v11 =	vld [tilespmem:s18+$0x8800]  }
0x114: {  	v25 =	vsub.f32 v24, v25;
	v27 =	vsub.f32 v26, v27;
	v24 =	vld [tilespmem:s18+$0x88B0]  }
0x115: {  	v28 =	vsub.f32 v28, v29;
	v29 =	vsub.f32 v30, v31;
	v26 =	vld [tilespmem:s17+$0x80]  }
0x116: {  	v31 =	vsub.f32 v34, v35;
	v37 =	vsub.f32 v36, v37;
	v36 =	vld [tilespmem:s17+$0xC0]  }
0x117: {  	v39 =	vsub.f32 v38, v39;
	v49 =	vsub.f32 v48, v49;
	v38 =	vld [tilespmem:s18+$0x89A0]  }
0x118: {  	v50 =	vsub.f32 v50, v51;
	v51 =	vsub.f32 v52, v53;
	v48 =	vld [tilespmem:s17+$0x110]  }
0x119: {  	v52 =	vsub.f32 v54, v55;
	v54 =	vsub.f32 v58, v59;
	v59 =	vld [tilespmem:$0x1FFF0]  }
0x11a: {  	v30 =	vsub.f32 v32, v33;
	v33 =	vmul.f32 v29, v29;
	v29 =	vld [tilespmem:s18+$0x8910]  }
0x11b: {  	v44 =	vsub.f32 v44, v45;
	v35 =	vmul.f32 v31, v31;
	v31 =	vld [tilespmem:s17+$0x90]  }
0x11c: {  	v45 =	vsub.f32 v46, v47;
	v34 =	vmul.f32 v30, v30;
	v30 =	vld [tilespmem:s17+$0xB0]  }
0x11d: {  	v46 =	vmul.f32 v44, v44;
	v44 =	vld [tilespmem:s17+$0xF0]  }
0x11e: {  	v53 =	vsub.f32 v56, v57;
	v47 =	vmul.f32 v45, v45;
	v45 =	vld [tilespmem:s18+$0x8A00]  }
0x11f: {  	v43 =	vsub.f32 v42, v43;
	v4 =	vmul.f32 v4, v4;
	v55 =	vmul.f32 v51, v51;
	v51 =	vld [tilespmem:s18+$0x8A30]  }
0x120: {  	v5 =	vmul.f32 v5, v5;
	v57 =	vmul.f32 v53, v53;
	v53 =	vld [tilespmem:s17+$0x130]  }
0x121: {  	v32 =	vmul.f32 v28, v28;
	v28 =	vmul.f32 v43, v43;
	v43 =	vld [tilespmem:s18+$0x8B20]  }
0x122: {  	v7 =	vmul.f32 v7, v7;
	v3 =	vadd.f32 v4, v3;
	v4 =	vld [tilespmem:s17+$0x0]  }
0x123: {  	v8 =	vmul.f32 v8, v8;
	v2 =	vadd.f32 v5, v2;
	v5 =	vld [tilespmem:s18+$0x8810]  }
0x124: {  	v1 =	vadd.f32 v7, v1;
	v7 =	vsub.f32 v12, v13;
	v12 =	vld [tilespmem:s17+$0x10]  }
0x125: {  	v0 =	vadd.f32 v8, v0;
	v8 =	vsub.f32 v14, v15;
	v15 =	vld [tilespmem:s18+$0x8820]  }
0x126: {  	v13 =	vsub.f32 v16, v17;
	v17 =	vld [tilespmem:s17+$0x20]  }
0x127: {  	v14 =	vsub.f32 v18, v19;
	v16 =	vsub.f32 v20, v21;
	v19 =	vld [tilespmem:s18+$0x8830]  }
0x128: {  	v21 =	vsub.f32 v22, v23;
	v18 =	vld [tilespmem:s18+$0x8890]  }
0x129: {  	v8 =	vmul.f32 v8, v8;
	v22 =	vmul.f32 v16, v16;
	v16 =	vld [tilespmem:s17+$0x40]  }
0x12a: {  	v41 =	vsub.f32 v40, v41;
	v14 =	vmul.f32 v14, v14;
	v23 =	vmul.f32 v21, v21;
	v21 =	vld [tilespmem:s17+$0x60]  }
0x12b: {  	v63 =	vsub.f32 v62, v63;
	v7 =	vmul.f32 v7, v7;
	v2 =	vadd.f32 v8, v2;
	v8 =	vld [tilespmem:s17+$0x30]  }
0x12c: {  	v6 =	vsub.f32 v60, v6;
	v13 =	vmul.f32 v13, v13;
	v0 =	vadd.f32 v14, v0;
	v14 =	vld [tilespmem:s18+$0x8880]  }
0x12d: {  	v9 =	vsub.f32 v9, v10;
	v3 =	vadd.f32 v7, v3;
	v7 =	vmul.f32 v25, v25;
	v25 =	vld [tilespmem:s18+$0x88A0]  }
0x12e: {  	v1 =	vadd.f32 v13, v1;
	v13 =	vmul.f32 v27, v27;
	v27 =	vmul.f32 v41, v41;
	v41 =	vld [tilespmem:s17+$0x190]  }
0x12f: {  	v60 =	vsub.f32 v29, v31;
	v3 =	vadd.f32 v22, v3;
	v22 =	vld [tilespmem:s17+$0x50]  }
0x130: {  	v4 =	vsub.f32 v11, v4;
	v1 =	vadd.f32 v7, v1;
	v7 =	vld [tilespmem:s17+$0x70]  }
0x131: {  	v2 =	vadd.f32 v23, v2;
	v0 =	vadd.f32 v13, v0;
	v13 =	vld [tilespmem:s18+$0x8900]  }
0x132: {  	v5 =	vsub.f32 v5, v12;
	v23 =	vmul.f32 v39, v39;
	v39 =	vld [tilespmem:s18+$0x8990];
	v3 =	vadd.f32 v32, v3  }
0x133: {  	v2 =	vadd.f32 v33, v2;
	v1 =	vadd.f32 v34, v1;
	v33 =	vld [tilespmem:s18+$0x8920]  }
0x134: {  	v20 =	vmul.f32 v37, v37;
	v0 =	vadd.f32 v35, v0;
	v32 =	vld [tilespmem:s18+$0x8980];
	v34 =	vsub.f32 v59, v61  }
0x135: {  	v58 =	vmul.f32 v54, v54;
	v35 =	vld [tilespmem:s17+$0xD0];
	v14 =	vsub.f32 v14, v16;
	v54 =	vsub.f32 v25, v21  }
0x136: {  	v56 =	vmul.f32 v52, v52;
	v61 =	vld [tilespmem:s17+$0x160];
	v3 =	vadd.f32 v20, v3;
	v2 =	vadd.f32 v23, v2  }
0x137: {  	v37 =	vmul.f32 v63, v63;
	v23 =	vld [tilespmem:s17+$0xA0];
	v1 =	vadd.f32 v27, v1;
	v0 =	vadd.f32 v28, v0  }
0x138: {  	v28 =	vld [tilespmem:s18+$0x8930];
	v20 =	vmul.f32 v49, v49;
	v52 =	vsub.f32 v18, v22;
	v7 =	vsub.f32 v24, v7  }
0x139: {  	v27 =	vmul.f32 v50, v50;
	v49 =	vld [tilespmem:s18+$0x8A20];
	v59 =	vsub.f32 v13, v26;
	v3 =	vadd.f32 v46, v3  }
0x13a: {  	v6 =	vmul.f32 v6, v6;
	v50 =	vld [tilespmem:s17+$0x120];
	v2 =	vadd.f32 v47, v2;
	v1 =	vadd.f32 v20, v1  }
0x13b: {  	v13 =	vmul.f32 v60, v60;
	v60 =	vld [tilespmem:s18+$0x8BB0];
	v0 =	vadd.f32 v27, v0;
	v29 =	vsub.f32 v32, v36  }
0x13c: {  	v9 =	vmul.f32 v9, v9;
	v20 =	vld [tilespmem:s17+$0xE0];
	v31 =	vsub.f32 v39, v35;
	v3 =	vadd.f32 v55, v3  }
0x13d: {  	v34 =	vmul.f32 v34, v34;
	v27 =	vld [tilespmem:s18+$0x89B0];
	v2 =	vadd.f32 v56, v2;
	v1 =	vadd.f32 v57, v1  }
0x13e: {  	v4 =	vmul.f32 v4, v4;
	v46 =	vld [tilespmem:s17+$0x100];
	v0 =	vadd.f32 v58, v0;
	v62 =	vsub.f32 v33, v23  }
0x13f: {  	v5 =	vmul.f32 v5, v5;
	v47 =	vld [tilespmem:s18+$0x8A10];
	v63 =	vsub.f32 v28, v30;
	v3 =	vadd.f32 v34, v3  }
0x140: {  	v7 =	vmul.f32 v7, v7;
	v32 =	vld [tilespmem:s18+$0x8B00];
	v2 =	vadd.f32 v37, v2;
	v1 =	vadd.f32 v6, v1  }
0x141: {  	v56 =	vmul.f32 v52, v52;
	v28 =	vld [tilespmem:s18+$0x8AB0];
	v0 =	vadd.f32 v9, v0;
	v6 =	vsub.f32 v49, v50  }
0x142: {  	v30 =	vld [tilespmem:s17+$0x170];
	v33 =	vmul.f32 v29, v29;
	v39 =	vsub.f32 v38, v20;
	v42 =	vsub.f32 v27, v44  }
0x143: {  	v55 =	vld [tilespmem:s18+$0x8A80];
	v36 =	vmul.f32 v31, v31;
	v3 =	vadd.f32 v4, v3;
	v4 =	vsub.f32 v15, v17  }
0x144: {  	v57 =	vld [tilespmem:s17+$0x140];
	v21 =	vmul.f32 v63, v63;
	v2 =	vadd.f32 v5, v2;
	v5 =	vsub.f32 v19, v8  }
0x145: {  	v35 =	vld [tilespmem:s17+$0x180];
	v10 =	vsub.f32 v45, v46;
	v44 =	vsub.f32 v47, v48;
	v4 =	vmul.f32 v4, v4  }
0x146: {  	v58 =	vld [tilespmem:s18+$0x8A90];
	v8 =	vsub.f32 v51, v53;
	v5 =	vmul.f32 v5, v5;
	v2 =	vadd.f32 v56, v2  }
0x147: {  	v52 =	vld [tilespmem:s17+$0x1C0];
	v56 =	vsub.f32 v28, v30;
	v1 =	vadd.f32 v4, v1;
	v4 =	vmul.f32 v14, v14  }
0x148: {  	v37 =	vld [tilespmem:s18+$0x8B10];
	v0 =	vadd.f32 v5, v0;
	v5 =	vmul.f32 v54, v54;
	v2 =	vadd.f32 v13, v2  }
0x149: {  	v50 =	vld [tilespmem:s17+$0x1B0];
	v19 =	vmul.f32 v62, v62;
	v54 =	vsub.f32 v55, v57;
	v3 =	vadd.f32 v4, v3  }
0x14a: {  	v4 =	vld [tilespmem:s17+$0x150];
	v1 =	vadd.f32 v5, v1;
	v0 =	vadd.f32 v7, v0;
	v7 =	vmul.f32 v59, v59  }
0x14b: {  	v49 =	vmul.f32 v44, v44;
	v13 =	vsub.f32 v32, v35;
	v5 =	vld [tilespmem:s18+$0x8AA0];
	v2 =	vadd.f32 v36, v2  }
0x14c: {  	v45 =	vld [tilespmem:s17+$0x1A0];
	v3 =	vadd.f32 v7, v3;
	v1 =	vadd.f32 v19, v1;
	v7 =	vmul.f32 v39, v39  }
0x14d: {  	v47 =	vld [tilespmem:s18+$0x8B30];
	v46 =	vmul.f32 v42, v42;
	v0 =	vadd.f32 v21, v0;
	v2 =	vadd.f32 v49, v2  }
0x14e: {  	v51 =	vld [tilespmem:s18+$0x8B80];
	v48 =	vmul.f32 v10, v10;
	v3 =	vadd.f32 v33, v3;
	v1 =	vadd.f32 v7, v1  }
0x14f: {  	v53 =	vld [tilespmem:s18+$0x8B90];
	v8 =	vmul.f32 v8, v8;
	v0 =	vadd.f32 v46, v0;
	v4 =	vsub.f32 v58, v4  }
0x150: {  	v6 =	vmul.f32 v6, v6;
	v55 =	vld [tilespmem:s17+$0x1D0];
	v5 =	vsub.f32 v5, v61;
	v3 =	vadd.f32 v48, v3  }
0x151: {  	v57 =	vld [tilespmem:s18+$0x8BA0];
	v0 =	vadd.f32 v8, v0;
	v8 =	vmul.f32 v54, v54;
	v4 =	vmul.f32 v4, v4  }
0x152: {  	v59 =	vsub.f32 v37, v41;
	v58 =	vld [tilespmem:s17+$0x1E0];
	v1 =	vadd.f32 v6, v1;
	v5 =	vmul.f32 v5, v5  }
0x153: {  	v61 =	vld [tilespmem:s17+$0x1F0];
	v3 =	vadd.f32 v8, v3;
	v2 =	vadd.f32 v4, v2;
	v4 =	vmul.f32 v13, v13  }
0x154: {  	v7 =	vsub.f32 v51, v52;
	v1 =	vadd.f32 v5, v1;
	v5 =	vmul.f32 v59, v59  }
0x155: {  	v14 =	vmul.f32 v56, v56;
	v3 =	vadd.f32 v4, v3;
	v4 =	vsub.f32 v43, v45  }
0x156: {  	v2 =	vadd.f32 v5, v2;
	v5 =	vsub.f32 v47, v50  }
0x157: {  	p0 =	sne.s32 s16, $0x3E000;
	v6 =	vsub.f32 v53, v55;
	v0 =	vadd.f32 v14, v0;
	v4 =	vmul.f32 v4, v4  }
.Ltmp1:
0x158: {  	v62 =	vsub.f32 v57, v58;
	v8 =	vsub.f32 v60, v61;
	v5 =	vmul.f32 v5, v5;
	(pc) =	sbr.rel @p0 .LBB2_4-.Ltmp1, $4  }
0x159: {  	v6 =	vmul.f32 v6, v6;
	v1 =	vadd.f32 v4, v1;
	v4 =	vmul.f32 v7, v7  }
0x15a: {  	v63 =	vmul.f32 v8, v8;
	v0 =	vadd.f32 v5, v0;
	v5 =	vmul.f32 v62, v62  }
0x15b: {  	v2 =	vadd.f32 v6, v2;
	v3 =	vadd.f32 v4, v3  }
0x15c: {  	s16 =	sadd.s32 $0x2000, s16;
	s17 =	sadd.s32 $0x400, s17;
	v1 =	vadd.f32 v5, v1;
	v0 =	vadd.f32 v63, v0  }
0x15d: {  	v2 =	vadd.f32 v2, v3;
	_ =	sdelay $0x1  }
0x15e: {  	v1 =	vadd.f32 v1, v2;
	_ =	sdelay $0x1  }
0x15f: {  	s15 =	sadd.s32 $0x1, s15;
	v0 =	vadd.f32 v0, v1  }
0x160: {  	p0 =	sne.s32 s15, s8  }
.Ltmp2:
0x161: {  	[tilespmem:$0x18400] =	vst v0;
	(pc) =	sbr.rel @p0 .LBB2_1-.Ltmp2, $4  }
0x162: {  	[hbm4b:s7+s2] =	stream.linear.scatter [tilespmem:s14], [sflag:$0x2], $0x80, $0x38;
	[tilespmem:$0x18480] =	vst v63  }
0x163: {  	_ =	swait.ge [sflag:s11], $0x80  }
0x164: {  	[sflag:s11] =	ssyncset.done $0x0  }
0x165: {  	[sflag:s11] =	ssyncadd.s32 $0xFFFFFF80  }
0x166: {  	_ =	sfence.sel $0x180000  }
0x167: {  	[bflag:$0x0] =	sbarrier.arrive $0xFFFF  }
0x168: {  	p0 =	sne.s32 s1, $0x0;
	_ =	strace $0x90000047  }
0x169: {  	s0 =	sadd.s32 @!p0 $0x100000, s0;
	[bflag:$0x2] =	sbarrier.arrive $0xFFFF  }
0x16a: {  	[sflag:s0] =	ssyncadd.tile.s32 @!p0 $0x1;
	_ =	shalt  }
.Lfunc_end2:
_tile_overlayer_lowered:
.L_overlay_start_2:
0x16b: {  	(tag) =	ssettag $0x2  }
0x16c: {  	s0 =	rddreg [dreg:$0x0];
	s2 =	stileid.u32  }
0x16d: {  	s1 =	rddreg [dreg:$0x1];
	p0 =	sne.s32 s2, $0x0  }
0x16e: {  	s3 =	rddreg [dreg:$0x2];
	[bflag:$0x3] =	sbarrier.arrive $0xFFFF;
	s2 =	simm.s32 @!p0 $0x1C02  }
0x16f: {  	[timem:s3], [sflag:s2] =	dma.local @!p0 [hbm:s0], s1  }
0x170: {  	s0 =	simm.s32 @!p0 $0x2  }
0x171: {  	_ =	swait.ge @!p0 [sflag:s0], s1  }
0x172: {  	s1 =	ssub.s32 @!p0 $0x0, s1;
	[sflag:s0] =	ssyncset.done @!p0 $0x0  }
0x173: {  	[sflag:s0] =	ssyncadd.s32 @!p0 s1  }
0x174: {  	[bflag:$0x3] =	sbarrier.arrive $0xFFFF  }
0x175: {  	_ =	shalt  }

</sc_bundles>
